<compile_context>
chip_gen: v7x
topology: tpu7x:2x2x1
jax: 0.10.2.dev20260603
libtpu: 0.0.44.dev20260713+nightly
codegen_flags: <defaults>
</compile_context>

<pallas_src>
import functools

import jax
import jax.numpy as jnp
from jax import lax
from jax.experimental import pallas as pl
from jax.experimental.pallas import tpu as pltpu
from jax.experimental.pallas import tpu_sc as plsc

N = 10000
E = 320000
D_IN = 128
D_OUT = 64

NC = 2
NS = 16
NW = NC * NS
L = 16

NPAD = 10240
ROWS_PER_TILE = NPAD // NS
K = 128
E_TOT = E + N
BLK_PAIR = 2 * (-(-E_TOT // (NS * K * 2)))
NBLK0 = 94
NBLK1 = BLK_PAIR - NBLK0
NBLK_MAX = max(NBLK0, NBLK1)
E_PAD = NS * BLK_PAIR * K
ACC_W = 80
MM_BLK = 256


def _mm_body(n_ref, wl_ref, wr_ref, wlin_ref, b_ref, xl_ref, xr_ref, lin_ref):
    n = n_ref[...]
    xl_ref[...] = jnp.dot(n, wl_ref[...], preferred_element_type=jnp.float32)
    xr_ref[...] = jnp.dot(n, wr_ref[...], preferred_element_type=jnp.float32)
    lin_ref[...] = (
        jnp.dot(n, wlin_ref[...], preferred_element_type=jnp.float32)
        + b_ref[0:1, :]
    )


def _node_transforms(node_p, Wl, Wr, Wlin, bias2):
    grid = (NPAD // MM_BLK,)
    w_spec = pl.BlockSpec((D_IN, D_OUT), lambda i: (0, 0))
    o_spec = pl.BlockSpec((MM_BLK, D_OUT), lambda i: (i, 0))
    return pl.pallas_call(
        _mm_body,
        grid=grid,
        in_specs=[
            pl.BlockSpec((MM_BLK, D_IN), lambda i: (i, 0)),
            w_spec, w_spec, w_spec,
            pl.BlockSpec((8, D_OUT), lambda i: (0, 0)),
        ],
        out_specs=[o_spec, o_spec, o_spec],
        out_shape=[jax.ShapeDtypeStruct((NPAD, D_OUT), jnp.float32)] * 3,
    )(node_p, Wl, Wr, Wlin, bias2)


def _sc_edge_body(xl_hbm, xr_hbm, src_hbm, dst_hbm, att_hbm, out_hbm,
                  att_v, idx_s, idx_d, rows_l0, rows_l1, rows_r0, rows_r1,
                  blk, accum, sl0, sl1, sr0, sr1):
    c = lax.axis_index("c")
    s = lax.axis_index("s")
    nhalf = jnp.where(c == 0, NBLK0 // 2, NBLK1 // 2)
    start_blk = jnp.where(c == 0, s * NBLK0, NS * NBLK0 + s * NBLK1)

    zeros16 = jnp.zeros((L,), jnp.float32)
    rows_l = (rows_l0, rows_l1)
    rows_r = (rows_r0, rows_r1)
    sl = (sl0, sl1)
    sr = (sr0, sr1)

    def _zrow(i, _):
        for cc in range(ACC_W // L):
            blk[i, pl.ds(cc * L, L)] = zeros16
        return _

    lax.fori_loop(0, K, _zrow, None)
    for j in range(ROWS_PER_TILE // K):
        pltpu.sync_copy(blk, accum.at[pl.ds(s * ROWS_PER_TILE + j * K, K)])
    plsc.subcore_barrier()

    pltpu.sync_copy(att_hbm, att_v)
    att_c = [att_v[pl.ds(cc * L, L)] for cc in range(D_OUT // L)]

    @pl.when(c == 0)
    def _():
        pltpu.sync_copy(src_hbm.at[pl.ds(start_blk, NBLK0)],
                        idx_s.at[pl.ds(0, NBLK0)])
        pltpu.sync_copy(dst_hbm.at[pl.ds(start_blk, NBLK0)],
                        idx_d.at[pl.ds(0, NBLK0)])

    @pl.when(c == 1)
    def _():
        pltpu.sync_copy(src_hbm.at[pl.ds(start_blk, NBLK1)],
                        idx_s.at[pl.ds(0, NBLK1)])
        pltpu.sync_copy(dst_hbm.at[pl.ds(start_blk, NBLK1)],
                        idx_d.at[pl.ds(0, NBLK1)])

    def _issue(g, b):
        pltpu.async_copy(xl_hbm.at[idx_s.at[g]], rows_l[b], sl[b])
        pltpu.async_copy(xr_hbm.at[idx_d.at[g]], rows_r[b], sr[b])

    _issue(0, 0)
    _issue(1, 1)

    def _iter(i, _):
        for b in range(2):
            g = 2 * i + b
            pltpu.make_async_copy(
                xl_hbm.at[idx_s.at[g]], rows_l[b], sl[b]).wait()
            pltpu.make_async_copy(
                xr_hbm.at[idx_d.at[g]], rows_r[b], sr[b]).wait()

            @plsc.parallel_loop(0, K, 1, unroll=4)
            def _edge(e):
                a = [rows_l[b][e, pl.ds(cc * L, L)]
                     for cc in range(D_OUT // L)]
                tot = zeros16
                for cc in range(D_OUT // L):
                    v = a[cc] + rows_r[b][e, pl.ds(cc * L, L)]
                    tot = tot + jnp.maximum(v, v * 0.2) * att_c[cc]
                p = jnp.exp(jnp.full((L,), jnp.sum(tot), jnp.float32))
                for cc in range(D_OUT // L):
                    blk[e, pl.ds(cc * L, L)] = a[cc] * p
                blk[e, pl.ds(D_OUT, L)] = p

            @pl.when(i < nhalf - 1)
            def _():
                _issue(g + 2, b)

            pltpu.sync_copy(blk, accum.at[idx_d.at[g]], add=True)
        return _

    lax.fori_loop(0, nhalf, _iter, None)
    plsc.subcore_barrier()
    pltpu.sync_copy(
        accum.at[pl.ds(s * ROWS_PER_TILE, ROWS_PER_TILE)],
        out_hbm.at[c, pl.ds(s * ROWS_PER_TILE, ROWS_PER_TILE)],
    )


_sc_edge = functools.partial(
    pl.kernel,
    out_type=jax.ShapeDtypeStruct((NC, NPAD, ACC_W), jnp.float32),
    mesh=plsc.VectorSubcoreMesh(core_axis_name="c", subcore_axis_name="s"),
    compiler_params=pltpu.CompilerParams(
        needs_layout_passes=False, use_tc_tiling_on_sc=False),
    scratch_types=[
        pltpu.VMEM((D_OUT,), jnp.float32),
        pltpu.VMEM((NBLK_MAX, K), jnp.int32),
        pltpu.VMEM((NBLK_MAX, K), jnp.int32),
        pltpu.VMEM((K, D_OUT), jnp.float32),
        pltpu.VMEM((K, D_OUT), jnp.float32),
        pltpu.VMEM((K, D_OUT), jnp.float32),
        pltpu.VMEM((K, D_OUT), jnp.float32),
        pltpu.VMEM((K, ACC_W), jnp.float32),
        pltpu.VMEM_SHARED((NPAD, ACC_W), jnp.float32),
        pltpu.SemaphoreType.DMA,
        pltpu.SemaphoreType.DMA,
        pltpu.SemaphoreType.DMA,
        pltpu.SemaphoreType.DMA,
    ],
)(_sc_edge_body)


def _combine_body(p0_ref, p1_ref, lin_ref, out_ref):
    p0 = p0_ref[0]
    p1 = p1_ref[0]
    num = p0[:, :D_OUT] + p1[:, :D_OUT]
    den = p0[:, D_OUT:D_OUT + 1] + p1[:, D_OUT:D_OUT + 1]
    out = num / jnp.maximum(den, 1e-30) + lin_ref[...]
    out_ref[...] = jnp.maximum(out, 0.0)


def _combine(acc, lin):
    blk = 1000
    grid = (N // blk,)
    return pl.pallas_call(
        _combine_body,
        grid=grid,
        in_specs=[
            pl.BlockSpec((1, blk, ACC_W), lambda i: (0, i, 0)),
            pl.BlockSpec((1, blk, ACC_W), lambda i: (1, i, 0)),
            pl.BlockSpec((blk, D_OUT), lambda i: (i, 0)),
        ],
        out_specs=pl.BlockSpec((blk, D_OUT), lambda i: (i, 0)),
        out_shape=jax.ShapeDtypeStruct((N, D_OUT), jnp.float32),
    )(acc, acc, lin)


def kernel(node, edge_index, Wl, Wr, att, bias, Wlin, blin):
    node_p = jnp.pad(node, ((0, NPAD - N), (0, 0)))
    bias2 = jnp.broadcast_to((bias + blin).reshape(1, D_OUT), (8, D_OUT))
    xl, xr, lin = _node_transforms(node_p, Wl, Wr, Wlin, bias2)

    loops = jnp.arange(N, dtype=jnp.int32)
    pad_n = E_PAD - E_TOT
    src = jnp.concatenate(
        [edge_index[0], loops, jnp.zeros((pad_n,), jnp.int32)])
    dst = jnp.concatenate(
        [edge_index[1], loops, jnp.full((pad_n,), N, jnp.int32)])
    src = src.reshape(E_PAD // K, K)
    dst = dst.reshape(E_PAD // K, K)

    acc = _sc_edge(xl, xr, src, dst, att)
    return _combine(acc, lin)

# --- scband reference (transcript-rebuilt; emitter-appended) ---
"""Pipeline reference for scband-gnnblock-16655883174661 (READ-ONLY COPY).

The authoritative reference and input builder live on the scoring server;
editing this copy changes nothing except your own understanding.
"""

import jax, jax.numpy as jnp
import numpy as np

N = 10000
E = 320000
D_IN = 128
D_OUT = 64


def setup_inputs(seed: int = 0) -> dict:
    key = jax.random.key(seed)
    ks = jax.random.split(key, 8)
    node = jax.random.normal(ks[0], (N, D_IN), dtype=jnp.float32)
    edge_index = jax.random.randint(ks[1], (2, E), 0, N, dtype=jnp.int32)
    s = 1.0 / np.sqrt(D_IN)
    Wl = jax.random.uniform(ks[2], (D_IN, D_OUT), minval=-s, maxval=s, dtype=jnp.float32)
    Wr = jax.random.uniform(ks[3], (D_IN, D_OUT), minval=-s, maxval=s, dtype=jnp.float32)
    att = jax.random.uniform(ks[4], (D_OUT,), minval=-s, maxval=s, dtype=jnp.float32)
    bias = jnp.zeros((D_OUT,), dtype=jnp.float32)
    Wlin = jax.random.uniform(ks[5], (D_IN, D_OUT), minval=-s, maxval=s, dtype=jnp.float32)
    blin = jnp.zeros((D_OUT,), dtype=jnp.float32)
    return {"node": node, "edge_index": edge_index, "Wl": Wl, "Wr": Wr, "att": att, "bias": bias, "Wlin": Wlin, "blin": blin}


def reference(node, edge_index, Wl, Wr, att, bias, Wlin, blin):
    # GATv2Conv (heads=1, add_self_loops=True), PyG semantics:
    # edge_index[0]=source j, edge_index[1]=target i; aggregate at target.
    loops = jnp.arange(N, dtype=edge_index.dtype)
    src = jnp.concatenate([edge_index[0], loops])
    dst = jnp.concatenate([edge_index[1], loops])
    xl = node @ Wl  # source transform lin_l -> [N, D_OUT]
    xr = node @ Wr  # target transform lin_r -> [N, D_OUT]
    e = xl[src] + xr[dst]
    e = jax.nn.leaky_relu(e, negative_slope=0.2)
    alpha = e @ att  # [E+N]
    # segment softmax over destination nodes (every node has a self loop)
    amax = jax.ops.segment_max(alpha, dst, num_segments=N)
    alpha = jnp.exp(alpha - amax[dst])
    denom = jax.ops.segment_sum(alpha, dst, num_segments=N)
    alpha = alpha / jnp.maximum(denom[dst], 1e-16)
    msg = xl[src] * alpha[:, None]
    gat_out = jax.ops.segment_sum(msg, dst, num_segments=N) + bias
    lin_out = node @ Wlin + blin
    out = gat_out + lin_out
    out = jax.nn.relu(out)
    # dropout is identity in eval mode
    return out

if __name__ == "__main__":
    import jax
    _d = setup_inputs()
    print(jax.jit(kernel)(*tuple(_d.values())))

</pallas_src>

<mosaic_0001>
#map = affine_map<(d0, d1) -> (0, 0)>
#map1 = affine_map<(d0, d1) -> (0)>
#map2 = affine_map<(d0, d1) -> (0, 0, 0)>
module attributes {stable_mosaic.version = 14 : i64} {
  func.func @_sc_edge_body(%arg0: i32, %arg1: i32, %arg2: memref<10240x64xf32, #tpu.memory_space<hbm>>, %arg3: memref<10240x64xf32, #tpu.memory_space<hbm>>, %arg4: memref<2592x128xi32, #tpu.memory_space<hbm>>, %arg5: memref<2592x128xi32, #tpu.memory_space<hbm>>, %arg6: memref<64xf32, #tpu.memory_space<hbm>>, %arg7: memref<2x10240x80xf32, #tpu.memory_space<hbm>>, %arg8: memref<64xf32, #tpu.memory_space<vmem>>, %arg9: memref<94x128xi32, #tpu.memory_space<vmem>>, %arg10: memref<94x128xi32, #tpu.memory_space<vmem>>, %arg11: memref<128x64xf32, #tpu.memory_space<vmem>>, %arg12: memref<128x64xf32, #tpu.memory_space<vmem>>, %arg13: memref<128x64xf32, #tpu.memory_space<vmem>>, %arg14: memref<128x64xf32, #tpu.memory_space<vmem>>, %arg15: memref<128x80xf32, #tpu.memory_space<vmem>>, %arg16: memref<10240x80xf32, #tpu.memory_space<vmem_shared>>, %arg17: memref<!tpu.dma_semaphore, #tpu.memory_space<semaphore_mem>>, %arg18: memref<!tpu.dma_semaphore, #tpu.memory_space<semaphore_mem>>, %arg19: memref<!tpu.dma_semaphore, #tpu.memory_space<semaphore_mem>>, %arg20: memref<!tpu.dma_semaphore, #tpu.memory_space<semaphore_mem>>) attributes {dimension_semantics = [#tpu.dimension_semantics<core_parallel>, #tpu.dimension_semantics<subcore_parallel>], iteration_bounds = array<i64: 2, 16>, scalar_prefetch = 0 : i64, scratch_operands = 13 : i64, tpu.core_type = #tpu.core_type<sc_vector_subcore>, window_params = [{transform_indices = #map}, {transform_indices = #map}, {transform_indices = #map}, {transform_indices = #map}, {transform_indices = #map1}, {transform_indices = #map2}]} {
    %eq3A = arith.constant 0 : i32
    %eq3A_0 = arith.cmpi eq, %arg0, %eq3A : i32
    %jit3A = arith.constant 47 : i32
    %jit3A_1 = arith.constant 34 : i32
    %select_n3A = arith.select %eq3A_0, %jit3A, %jit3A_1 : i32
    %eq3A_2 = arith.constant 0 : i32
    %eq3A_3 = arith.cmpi eq, %arg0, %eq3A_2 : i32
    %mul3A = arith.constant 94 : i32
    %mul3A_4 = arith.muli %arg1, %mul3A : i32
    %mul3A_5 = arith.constant 68 : i32
    %mul3A_6 = arith.muli %arg1, %mul3A_5 : i32
    %add3A = arith.constant 1504 : i32
    %add3A_7 = arith.addi %add3A, %mul3A_6 : i32
    %select_n3A_8 = arith.select %eq3A_3, %mul3A_4, %add3A_7 : i32
    %broadcast_in_dim3A = arith.constant 0.000000e+00 : f32
    %broadcast_in_dim3A_9 = vector.broadcast %broadcast_in_dim3A : f32 to vector<16xf32>
    %scan3A = arith.constant 0 : i32
    %scan3A_10 = arith.constant 128 : i32
    %scan3A_11 = arith.addi %scan3A, %scan3A_10 : i32
    %scan3A_12 = arith.constant 1 : i32
    scf.for %scan3A_89 = %scan3A to %scan3A_11 step %scan3A_12  : i32 {
      %swap3A = arith.index_cast %scan3A_89 : i32 to index
      %swap3A_90 = arith.constant 0 : index
      %swap3A_91 = tpu.vector_load %arg15[%swap3A, %swap3A_90] {strides = array<i32>} : memref<128x80xf32, #tpu.memory_space<vmem>>, vector<16xf32>,
      tpu.vector_store %arg15[%swap3A, %swap3A_90], %broadcast_in_dim3A_9 {strides = array<i32>} : memref<128x80xf32, #tpu.memory_space<vmem>>, vector<16xf32>,
      %swap3A_92 = arith.index_cast %scan3A_89 : i32 to index
      %swap3A_93 = arith.constant 16 : index
      %swap3A_94 = tpu.vector_load %arg15[%swap3A_92, %swap3A_93] {strides = array<i32>} : memref<128x80xf32, #tpu.memory_space<vmem>>, vector<16xf32>,
      tpu.vector_store %arg15[%swap3A_92, %swap3A_93], %broadcast_in_dim3A_9 {strides = array<i32>} : memref<128x80xf32, #tpu.memory_space<vmem>>, vector<16xf32>,
      %swap3A_95 = arith.index_cast %scan3A_89 : i32 to index
      %swap3A_96 = arith.constant 32 : index
      %swap3A_97 = tpu.vector_load %arg15[%swap3A_95, %swap3A_96] {strides = array<i32>} : memref<128x80xf32, #tpu.memory_space<vmem>>, vector<16xf32>,
      tpu.vector_store %arg15[%swap3A_95, %swap3A_96], %broadcast_in_dim3A_9 {strides = array<i32>} : memref<128x80xf32, #tpu.memory_space<vmem>>, vector<16xf32>,
      %swap3A_98 = arith.index_cast %scan3A_89 : i32 to index
      %swap3A_99 = arith.constant 48 : index
      %swap3A_100 = tpu.vector_load %arg15[%swap3A_98, %swap3A_99] {strides = array<i32>} : memref<128x80xf32, #tpu.memory_space<vmem>>, vector<16xf32>,
      tpu.vector_store %arg15[%swap3A_98, %swap3A_99], %broadcast_in_dim3A_9 {strides = array<i32>} : memref<128x80xf32, #tpu.memory_space<vmem>>, vector<16xf32>,
      %swap3A_101 = arith.index_cast %scan3A_89 : i32 to index
      %swap3A_102 = arith.constant 64 : index
      %swap3A_103 = tpu.vector_load %arg15[%swap3A_101, %swap3A_102] {strides = array<i32>} : memref<128x80xf32, #tpu.memory_space<vmem>>, vector<16xf32>,
      tpu.vector_store %arg15[%swap3A_101, %swap3A_102], %broadcast_in_dim3A_9 {strides = array<i32>} : memref<128x80xf32, #tpu.memory_space<vmem>>, vector<16xf32>,
    }
    %scan3A_13 = arith.constant 128 : i32
    %mul3A_14 = arith.constant 640 : i32
    %mul3A_15 = arith.muli %arg1, %mul3A_14 : i32
    %add3A_16 = arith.constant 0 : i32
    %add3A_17 = arith.addi %mul3A_15, %add3A_16 : i32
    "tpu.region"() ({
      %run_scoped3A = tpu.sem_alloc : memref<!tpu.dma_semaphore, #tpu.memory_space<semaphore_mem>>
      %dma_start3A_89 = arith.constant 0 : i32
      %dma_start3A_90 = tpu.memref_slice %arg16[%add3A_17, %dma_start3A_89] : memref<10240x80xf32, #tpu.memory_space<vmem_shared>> -> memref<128x80xf32, #tpu.memory_space<vmem_shared>>
      %dma_start3A_91 = arith.constant 0 : i32
      %dma_start3A_92 = tpu.memref_slice %arg16[%add3A_17, %dma_start3A_91] : memref<10240x80xf32, #tpu.memory_space<vmem_shared>> -> memref<128x80xf32, #tpu.memory_space<vmem_shared>>
      tpu.enqueue_dma source(%arg15 : memref<128x80xf32, #tpu.memory_space<vmem>>) target(%dma_start3A_92 : memref<128x80xf32, #tpu.memory_space<vmem_shared>>) target_semaphore(%run_scoped3A : memref<!tpu.dma_semaphore, #tpu.memory_space<semaphore_mem>>)
      %dma_wait3A = arith.constant 0 : i32
      %dma_wait3A_93 = tpu.memref_slice %arg16[%add3A_17, %dma_wait3A] : memref<10240x80xf32, #tpu.memory_space<vmem_shared>> -> memref<128x80xf32, #tpu.memory_space<vmem_shared>>
      %dma_wait3A_94 = arith.constant 0 : i32
      %dma_wait3A_95 = tpu.memref_slice %arg16[%add3A_17, %dma_wait3A_94] : memref<10240x80xf32, #tpu.memory_space<vmem_shared>> -> memref<128x80xf32, #tpu.memory_space<vmem_shared>>
      tpu.wait_dma2 semaphore(%run_scoped3A : memref<!tpu.dma_semaphore, #tpu.memory_space<semaphore_mem>>) src(%arg15 : memref<128x80xf32, #tpu.memory_space<vmem>>) dst(%dma_wait3A_95 : memref<128x80xf32, #tpu.memory_space<vmem_shared>>)
      tpu.yield
    }) : () -> ()
    %mul3A_18 = arith.constant 640 : i32
    %mul3A_19 = arith.muli %arg1, %mul3A_18 : i32
    %add3A_20 = arith.constant 128 : i32
    %add3A_21 = arith.addi %mul3A_19, %add3A_20 : i32
    "tpu.region"() ({
      %run_scoped3A = tpu.sem_alloc : memref<!tpu.dma_semaphore, #tpu.memory_space<semaphore_mem>>
      %dma_start3A_89 = arith.constant 0 : i32
      %dma_start3A_90 = tpu.memref_slice %arg16[%add3A_21, %dma_start3A_89] : memref<10240x80xf32, #tpu.memory_space<vmem_shared>> -> memref<128x80xf32, #tpu.memory_space<vmem_shared>>
      %dma_start3A_91 = arith.constant 0 : i32
      %dma_start3A_92 = tpu.memref_slice %arg16[%add3A_21, %dma_start3A_91] : memref<10240x80xf32, #tpu.memory_space<vmem_shared>> -> memref<128x80xf32, #tpu.memory_space<vmem_shared>>
      tpu.enqueue_dma source(%arg15 : memref<128x80xf32, #tpu.memory_space<vmem>>) target(%dma_start3A_92 : memref<128x80xf32, #tpu.memory_space<vmem_shared>>) target_semaphore(%run_scoped3A : memref<!tpu.dma_semaphore, #tpu.memory_space<semaphore_mem>>)
      %dma_wait3A = arith.constant 0 : i32
      %dma_wait3A_93 = tpu.memref_slice %arg16[%add3A_21, %dma_wait3A] : memref<10240x80xf32, #tpu.memory_space<vmem_shared>> -> memref<128x80xf32, #tpu.memory_space<vmem_shared>>
      %dma_wait3A_94 = arith.constant 0 : i32
      %dma_wait3A_95 = tpu.memref_slice %arg16[%add3A_21, %dma_wait3A_94] : memref<10240x80xf32, #tpu.memory_space<vmem_shared>> -> memref<128x80xf32, #tpu.memory_space<vmem_shared>>
      tpu.wait_dma2 semaphore(%run_scoped3A : memref<!tpu.dma_semaphore, #tpu.memory_space<semaphore_mem>>) src(%arg15 : memref<128x80xf32, #tpu.memory_space<vmem>>) dst(%dma_wait3A_95 : memref<128x80xf32, #tpu.memory_space<vmem_shared>>)
      tpu.yield
    }) : () -> ()
    %mul3A_22 = arith.constant 640 : i32
    %mul3A_23 = arith.muli %arg1, %mul3A_22 : i32
    %add3A_24 = arith.constant 256 : i32
    %add3A_25 = arith.addi %mul3A_23, %add3A_24 : i32
    "tpu.region"() ({
      %run_scoped3A = tpu.sem_alloc : memref<!tpu.dma_semaphore, #tpu.memory_space<semaphore_mem>>
      %dma_start3A_89 = arith.constant 0 : i32
      %dma_start3A_90 = tpu.memref_slice %arg16[%add3A_25, %dma_start3A_89] : memref<10240x80xf32, #tpu.memory_space<vmem_shared>> -> memref<128x80xf32, #tpu.memory_space<vmem_shared>>
      %dma_start3A_91 = arith.constant 0 : i32
      %dma_start3A_92 = tpu.memref_slice %arg16[%add3A_25, %dma_start3A_91] : memref<10240x80xf32, #tpu.memory_space<vmem_shared>> -> memref<128x80xf32, #tpu.memory_space<vmem_shared>>
      tpu.enqueue_dma source(%arg15 : memref<128x80xf32, #tpu.memory_space<vmem>>) target(%dma_start3A_92 : memref<128x80xf32, #tpu.memory_space<vmem_shared>>) target_semaphore(%run_scoped3A : memref<!tpu.dma_semaphore, #tpu.memory_space<semaphore_mem>>)
      %dma_wait3A = arith.constant 0 : i32
      %dma_wait3A_93 = tpu.memref_slice %arg16[%add3A_25, %dma_wait3A] : memref<10240x80xf32, #tpu.memory_space<vmem_shared>> -> memref<128x80xf32, #tpu.memory_space<vmem_shared>>
      %dma_wait3A_94 = arith.constant 0 : i32
      %dma_wait3A_95 = tpu.memref_slice %arg16[%add3A_25, %dma_wait3A_94] : memref<10240x80xf32, #tpu.memory_space<vmem_shared>> -> memref<128x80xf32, #tpu.memory_space<vmem_shared>>
      tpu.wait_dma2 semaphore(%run_scoped3A : memref<!tpu.dma_semaphore, #tpu.memory_space<semaphore_mem>>) src(%arg15 : memref<128x80xf32, #tpu.memory_space<vmem>>) dst(%dma_wait3A_95 : memref<128x80xf32, #tpu.memory_space<vmem_shared>>)
      tpu.yield
    }) : () -> ()
    %mul3A_26 = arith.constant 640 : i32
    %mul3A_27 = arith.muli %arg1, %mul3A_26 : i32
    %add3A_28 = arith.constant 384 : i32
    %add3A_29 = arith.addi %mul3A_27, %add3A_28 : i32
    "tpu.region"() ({
      %run_scoped3A = tpu.sem_alloc : memref<!tpu.dma_semaphore, #tpu.memory_space<semaphore_mem>>
      %dma_start3A_89 = arith.constant 0 : i32
      %dma_start3A_90 = tpu.memref_slice %arg16[%add3A_29, %dma_start3A_89] : memref<10240x80xf32, #tpu.memory_space<vmem_shared>> -> memref<128x80xf32, #tpu.memory_space<vmem_shared>>
      %dma_start3A_91 = arith.constant 0 : i32
      %dma_start3A_92 = tpu.memref_slice %arg16[%add3A_29, %dma_start3A_91] : memref<10240x80xf32, #tpu.memory_space<vmem_shared>> -> memref<128x80xf32, #tpu.memory_space<vmem_shared>>
      tpu.enqueue_dma source(%arg15 : memref<128x80xf32, #tpu.memory_space<vmem>>) target(%dma_start3A_92 : memref<128x80xf32, #tpu.memory_space<vmem_shared>>) target_semaphore(%run_scoped3A : memref<!tpu.dma_semaphore, #tpu.memory_space<semaphore_mem>>)
      %dma_wait3A = arith.constant 0 : i32
      %dma_wait3A_93 = tpu.memref_slice %arg16[%add3A_29, %dma_wait3A] : memref<10240x80xf32, #tpu.memory_space<vmem_shared>> -> memref<128x80xf32, #tpu.memory_space<vmem_shared>>
      %dma_wait3A_94 = arith.constant 0 : i32
      %dma_wait3A_95 = tpu.memref_slice %arg16[%add3A_29, %dma_wait3A_94] : memref<10240x80xf32, #tpu.memory_space<vmem_shared>> -> memref<128x80xf32, #tpu.memory_space<vmem_shared>>
      tpu.wait_dma2 semaphore(%run_scoped3A : memref<!tpu.dma_semaphore, #tpu.memory_space<semaphore_mem>>) src(%arg15 : memref<128x80xf32, #tpu.memory_space<vmem>>) dst(%dma_wait3A_95 : memref<128x80xf32, #tpu.memory_space<vmem_shared>>)
      tpu.yield
    }) : () -> ()
    %mul3A_30 = arith.constant 640 : i32
    %mul3A_31 = arith.muli %arg1, %mul3A_30 : i32
    %add3A_32 = arith.constant 512 : i32
    %add3A_33 = arith.addi %mul3A_31, %add3A_32 : i32
    "tpu.region"() ({
      %run_scoped3A = tpu.sem_alloc : memref<!tpu.dma_semaphore, #tpu.memory_space<semaphore_mem>>
      %dma_start3A_89 = arith.constant 0 : i32
      %dma_start3A_90 = tpu.memref_slice %arg16[%add3A_33, %dma_start3A_89] : memref<10240x80xf32, #tpu.memory_space<vmem_shared>> -> memref<128x80xf32, #tpu.memory_space<vmem_shared>>
      %dma_start3A_91 = arith.constant 0 : i32
      %dma_start3A_92 = tpu.memref_slice %arg16[%add3A_33, %dma_start3A_91] : memref<10240x80xf32, #tpu.memory_space<vmem_shared>> -> memref<128x80xf32, #tpu.memory_space<vmem_shared>>
      tpu.enqueue_dma source(%arg15 : memref<128x80xf32, #tpu.memory_space<vmem>>) target(%dma_start3A_92 : memref<128x80xf32, #tpu.memory_space<vmem_shared>>) target_semaphore(%run_scoped3A : memref<!tpu.dma_semaphore, #tpu.memory_space<semaphore_mem>>)
      %dma_wait3A = arith.constant 0 : i32
      %dma_wait3A_93 = tpu.memref_slice %arg16[%add3A_33, %dma_wait3A] : memref<10240x80xf32, #tpu.memory_space<vmem_shared>> -> memref<128x80xf32, #tpu.memory_space<vmem_shared>>
      %dma_wait3A_94 = arith.constant 0 : i32
      %dma_wait3A_95 = tpu.memref_slice %arg16[%add3A_33, %dma_wait3A_94] : memref<10240x80xf32, #tpu.memory_space<vmem_shared>> -> memref<128x80xf32, #tpu.memory_space<vmem_shared>>
      tpu.wait_dma2 semaphore(%run_scoped3A : memref<!tpu.dma_semaphore, #tpu.memory_space<semaphore_mem>>) src(%arg15 : memref<128x80xf32, #tpu.memory_space<vmem>>) dst(%dma_wait3A_95 : memref<128x80xf32, #tpu.memory_space<vmem_shared>>)
      tpu.yield
    }) : () -> ()
    %barrier3A = arith.constant 0 : index
    tpu.barrier barrier_id(%barrier3A)
    "tpu.region"() ({
      %run_scoped3A = tpu.sem_alloc : memref<!tpu.dma_semaphore, #tpu.memory_space<semaphore_mem>>
      tpu.enqueue_dma source(%arg6 : memref<64xf32, #tpu.memory_space<hbm>>) target(%arg8 : memref<64xf32, #tpu.memory_space<vmem>>) target_semaphore(%run_scoped3A : memref<!tpu.dma_semaphore, #tpu.memory_space<semaphore_mem>>)
      tpu.wait_dma2 semaphore(%run_scoped3A : memref<!tpu.dma_semaphore, #tpu.memory_space<semaphore_mem>>) src(%arg6 : memref<64xf32, #tpu.memory_space<hbm>>) dst(%arg8 : memref<64xf32, #tpu.memory_space<vmem>>)
      tpu.yield
    }) : () -> ()
    %get3A = arith.constant 0 : index
    %get3A_34 = tpu.vector_load %arg8[%get3A] {strides = array<i32>} : memref<64xf32, #tpu.memory_space<vmem>>, vector<16xf32>,
    %get3A_35 = arith.constant 16 : index
    %get3A_36 = tpu.vector_load %arg8[%get3A_35] {strides = array<i32>} : memref<64xf32, #tpu.memory_space<vmem>>, vector<16xf32>,
    %get3A_37 = arith.constant 32 : index
    %get3A_38 = tpu.vector_load %arg8[%get3A_37] {strides = array<i32>} : memref<64xf32, #tpu.memory_space<vmem>>, vector<16xf32>,
    %get3A_39 = arith.constant 48 : index
    %get3A_40 = tpu.vector_load %arg8[%get3A_39] {strides = array<i32>} : memref<64xf32, #tpu.memory_space<vmem>>, vector<16xf32>,
    %eq3A_41 = arith.constant 0 : i32
    %eq3A_42 = arith.cmpi eq, %arg0, %eq3A_41 : i32
    %convert_element_type3A = arith.extui %eq3A_42 : i1 to i32
    %cond3A = arith.constant 0 : i32
    %cond3A_43 = arith.cmpi ne, %convert_element_type3A, %cond3A : i32
    scf.if %cond3A_43 {
      "tpu.region"() ({
        %run_scoped3A = tpu.sem_alloc : memref<!tpu.dma_semaphore, #tpu.memory_space<semaphore_mem>>
        %dma_start3A_89 = arith.constant 0 : i32
        %dma_start3A_90 = arith.constant 0 : i32
        %dma_start3A_91 = tpu.memref_slice %arg9[%dma_start3A_89, %dma_start3A_90] : memref<94x128xi32, #tpu.memory_space<vmem>> -> memref<94x128xi32, #tpu.memory_space<vmem>>
        %dma_start3A_92 = arith.constant 0 : i32
        %dma_start3A_93 = tpu.memref_slice %arg4[%select_n3A_8, %dma_start3A_92] : memref<2592x128xi32, #tpu.memory_space<hbm>> -> memref<94x128xi32, #tpu.memory_space<hbm>>
        %dma_start3A_94 = arith.constant 0 : i32
        %dma_start3A_95 = arith.constant 0 : i32
        %dma_start3A_96 = tpu.memref_slice %arg9[%dma_start3A_94, %dma_start3A_95] : memref<94x128xi32, #tpu.memory_space<vmem>> -> memref<94x128xi32, #tpu.memory_space<vmem>>
        %dma_start3A_97 = arith.constant 0 : i32
        %dma_start3A_98 = tpu.memref_slice %arg4[%select_n3A_8, %dma_start3A_97] : memref<2592x128xi32, #tpu.memory_space<hbm>> -> memref<94x128xi32, #tpu.memory_space<hbm>>
        tpu.enqueue_dma source(%dma_start3A_98 : memref<94x128xi32, #tpu.memory_space<hbm>>) target(%dma_start3A_96 : memref<94x128xi32, #tpu.memory_space<vmem>>) target_semaphore(%run_scoped3A : memref<!tpu.dma_semaphore, #tpu.memory_space<semaphore_mem>>)
        %dma_wait3A = arith.constant 0 : i32
        %dma_wait3A_99 = arith.constant 0 : i32
        %dma_wait3A_100 = tpu.memref_slice %arg9[%dma_wait3A, %dma_wait3A_99] : memref<94x128xi32, #tpu.memory_space<vmem>> -> memref<94x128xi32, #tpu.memory_space<vmem>>
        %dma_wait3A_101 = arith.constant 0 : i32
        %dma_wait3A_102 = tpu.memref_slice %arg4[%select_n3A_8, %dma_wait3A_101] : memref<2592x128xi32, #tpu.memory_space<hbm>> -> memref<94x128xi32, #tpu.memory_space<hbm>>
        %dma_wait3A_103 = arith.constant 0 : i32
        %dma_wait3A_104 = arith.constant 0 : i32
        %dma_wait3A_105 = tpu.memref_slice %arg9[%dma_wait3A_103, %dma_wait3A_104] : memref<94x128xi32, #tpu.memory_space<vmem>> -> memref<94x128xi32, #tpu.memory_space<vmem>>
        %dma_wait3A_106 = arith.constant 0 : i32
        %dma_wait3A_107 = tpu.memref_slice %arg4[%select_n3A_8, %dma_wait3A_106] : memref<2592x128xi32, #tpu.memory_space<hbm>> -> memref<94x128xi32, #tpu.memory_space<hbm>>
        tpu.wait_dma2 semaphore(%run_scoped3A : memref<!tpu.dma_semaphore, #tpu.memory_space<semaphore_mem>>) src(%dma_wait3A_107 : memref<94x128xi32, #tpu.memory_space<hbm>>) dst(%dma_wait3A_105 : memref<94x128xi32, #tpu.memory_space<vmem>>)
        tpu.yield
      }) : () -> ()
      "tpu.region"() ({
        %run_scoped3A = tpu.sem_alloc : memref<!tpu.dma_semaphore, #tpu.memory_space<semaphore_mem>>
        %dma_start3A_89 = arith.constant 0 : i32
        %dma_start3A_90 = arith.constant 0 : i32
        %dma_start3A_91 = tpu.memref_slice %arg10[%dma_start3A_89, %dma_start3A_90] : memref<94x128xi32, #tpu.memory_space<vmem>> -> memref<94x128xi32, #tpu.memory_space<vmem>>
        %dma_start3A_92 = arith.constant 0 : i32
        %dma_start3A_93 = tpu.memref_slice %arg5[%select_n3A_8, %dma_start3A_92] : memref<2592x128xi32, #tpu.memory_space<hbm>> -> memref<94x128xi32, #tpu.memory_space<hbm>>
        %dma_start3A_94 = arith.constant 0 : i32
        %dma_start3A_95 = arith.constant 0 : i32
        %dma_start3A_96 = tpu.memref_slice %arg10[%dma_start3A_94, %dma_start3A_95] : memref<94x128xi32, #tpu.memory_space<vmem>> -> memref<94x128xi32, #tpu.memory_space<vmem>>
        %dma_start3A_97 = arith.constant 0 : i32
        %dma_start3A_98 = tpu.memref_slice %arg5[%select_n3A_8, %dma_start3A_97] : memref<2592x128xi32, #tpu.memory_space<hbm>> -> memref<94x128xi32, #tpu.memory_space<hbm>>
        tpu.enqueue_dma source(%dma_start3A_98 : memref<94x128xi32, #tpu.memory_space<hbm>>) target(%dma_start3A_96 : memref<94x128xi32, #tpu.memory_space<vmem>>) target_semaphore(%run_scoped3A : memref<!tpu.dma_semaphore, #tpu.memory_space<semaphore_mem>>)
        %dma_wait3A = arith.constant 0 : i32
        %dma_wait3A_99 = arith.constant 0 : i32
        %dma_wait3A_100 = tpu.memref_slice %arg10[%dma_wait3A, %dma_wait3A_99] : memref<94x128xi32, #tpu.memory_space<vmem>> -> memref<94x128xi32, #tpu.memory_space<vmem>>
        %dma_wait3A_101 = arith.constant 0 : i32
        %dma_wait3A_102 = tpu.memref_slice %arg5[%select_n3A_8, %dma_wait3A_101] : memref<2592x128xi32, #tpu.memory_space<hbm>> -> memref<94x128xi32, #tpu.memory_space<hbm>>
        %dma_wait3A_103 = arith.constant 0 : i32
        %dma_wait3A_104 = arith.constant 0 : i32
        %dma_wait3A_105 = tpu.memref_slice %arg10[%dma_wait3A_103, %dma_wait3A_104] : memref<94x128xi32, #tpu.memory_space<vmem>> -> memref<94x128xi32, #tpu.memory_space<vmem>>
        %dma_wait3A_106 = arith.constant 0 : i32
        %dma_wait3A_107 = tpu.memref_slice %arg5[%select_n3A_8, %dma_wait3A_106] : memref<2592x128xi32, #tpu.memory_space<hbm>> -> memref<94x128xi32, #tpu.memory_space<hbm>>
        tpu.wait_dma2 semaphore(%run_scoped3A : memref<!tpu.dma_semaphore, #tpu.memory_space<semaphore_mem>>) src(%dma_wait3A_107 : memref<94x128xi32, #tpu.memory_space<hbm>>) dst(%dma_wait3A_105 : memref<94x128xi32, #tpu.memory_space<vmem>>)
        tpu.yield
      }) : () -> ()
    } else {
    }
    %eq3A_44 = arith.constant 1 : i32
    %eq3A_45 = arith.cmpi eq, %arg0, %eq3A_44 : i32
    %convert_element_type3A_46 = arith.extui %eq3A_45 : i1 to i32
    %cond3A_47 = arith.constant 0 : i32
    %cond3A_48 = arith.cmpi ne, %convert_element_type3A_46, %cond3A_47 : i32
    scf.if %cond3A_48 {
      "tpu.region"() ({
        %run_scoped3A = tpu.sem_alloc : memref<!tpu.dma_semaphore, #tpu.memory_space<semaphore_mem>>
        %dma_start3A_89 = arith.constant 0 : i32
        %dma_start3A_90 = arith.constant 0 : i32
        %dma_start3A_91 = tpu.memref_slice %arg9[%dma_start3A_89, %dma_start3A_90] : memref<94x128xi32, #tpu.memory_space<vmem>> -> memref<68x128xi32, #tpu.memory_space<vmem>>
        %dma_start3A_92 = arith.constant 0 : i32
        %dma_start3A_93 = tpu.memref_slice %arg4[%select_n3A_8, %dma_start3A_92] : memref<2592x128xi32, #tpu.memory_space<hbm>> -> memref<68x128xi32, #tpu.memory_space<hbm>>
        %dma_start3A_94 = arith.constant 0 : i32
        %dma_start3A_95 = arith.constant 0 : i32
        %dma_start3A_96 = tpu.memref_slice %arg9[%dma_start3A_94, %dma_start3A_95] : memref<94x128xi32, #tpu.memory_space<vmem>> -> memref<68x128xi32, #tpu.memory_space<vmem>>
        %dma_start3A_97 = arith.constant 0 : i32
        %dma_start3A_98 = tpu.memref_slice %arg4[%select_n3A_8, %dma_start3A_97] : memref<2592x128xi32, #tpu.memory_space<hbm>> -> memref<68x128xi32, #tpu.memory_space<hbm>>
        tpu.enqueue_dma source(%dma_start3A_98 : memref<68x128xi32, #tpu.memory_space<hbm>>) target(%dma_start3A_96 : memref<68x128xi32, #tpu.memory_space<vmem>>) target_semaphore(%run_scoped3A : memref<!tpu.dma_semaphore, #tpu.memory_space<semaphore_mem>>)
        %dma_wait3A = arith.constant 0 : i32
        %dma_wait3A_99 = arith.constant 0 : i32
        %dma_wait3A_100 = tpu.memref_slice %arg9[%dma_wait3A, %dma_wait3A_99] : memref<94x128xi32, #tpu.memory_space<vmem>> -> memref<68x128xi32, #tpu.memory_space<vmem>>
        %dma_wait3A_101 = arith.constant 0 : i32
        %dma_wait3A_102 = tpu.memref_slice %arg4[%select_n3A_8, %dma_wait3A_101] : memref<2592x128xi32, #tpu.memory_space<hbm>> -> memref<68x128xi32, #tpu.memory_space<hbm>>
        %dma_wait3A_103 = arith.constant 0 : i32
        %dma_wait3A_104 = arith.constant 0 : i32
        %dma_wait3A_105 = tpu.memref_slice %arg9[%dma_wait3A_103, %dma_wait3A_104] : memref<94x128xi32, #tpu.memory_space<vmem>> -> memref<68x128xi32, #tpu.memory_space<vmem>>
        %dma_wait3A_106 = arith.constant 0 : i32
        %dma_wait3A_107 = tpu.memref_slice %arg4[%select_n3A_8, %dma_wait3A_106] : memref<2592x128xi32, #tpu.memory_space<hbm>> -> memref<68x128xi32, #tpu.memory_space<hbm>>
        tpu.wait_dma2 semaphore(%run_scoped3A : memref<!tpu.dma_semaphore, #tpu.memory_space<semaphore_mem>>) src(%dma_wait3A_107 : memref<68x128xi32, #tpu.memory_space<hbm>>) dst(%dma_wait3A_105 : memref<68x128xi32, #tpu.memory_space<vmem>>)
        tpu.yield
      }) : () -> ()
      "tpu.region"() ({
        %run_scoped3A = tpu.sem_alloc : memref<!tpu.dma_semaphore, #tpu.memory_space<semaphore_mem>>
        %dma_start3A_89 = arith.constant 0 : i32
        %dma_start3A_90 = arith.constant 0 : i32
        %dma_start3A_91 = tpu.memref_slice %arg10[%dma_start3A_89, %dma_start3A_90] : memref<94x128xi32, #tpu.memory_space<vmem>> -> memref<68x128xi32, #tpu.memory_space<vmem>>
        %dma_start3A_92 = arith.constant 0 : i32
        %dma_start3A_93 = tpu.memref_slice %arg5[%select_n3A_8, %dma_start3A_92] : memref<2592x128xi32, #tpu.memory_space<hbm>> -> memref<68x128xi32, #tpu.memory_space<hbm>>
        %dma_start3A_94 = arith.constant 0 : i32
        %dma_start3A_95 = arith.constant 0 : i32
        %dma_start3A_96 = tpu.memref_slice %arg10[%dma_start3A_94, %dma_start3A_95] : memref<94x128xi32, #tpu.memory_space<vmem>> -> memref<68x128xi32, #tpu.memory_space<vmem>>
        %dma_start3A_97 = arith.constant 0 : i32
        %dma_start3A_98 = tpu.memref_slice %arg5[%select_n3A_8, %dma_start3A_97] : memref<2592x128xi32, #tpu.memory_space<hbm>> -> memref<68x128xi32, #tpu.memory_space<hbm>>
        tpu.enqueue_dma source(%dma_start3A_98 : memref<68x128xi32, #tpu.memory_space<hbm>>) target(%dma_start3A_96 : memref<68x128xi32, #tpu.memory_space<vmem>>) target_semaphore(%run_scoped3A : memref<!tpu.dma_semaphore, #tpu.memory_space<semaphore_mem>>)
        %dma_wait3A = arith.constant 0 : i32
        %dma_wait3A_99 = arith.constant 0 : i32
        %dma_wait3A_100 = tpu.memref_slice %arg10[%dma_wait3A, %dma_wait3A_99] : memref<94x128xi32, #tpu.memory_space<vmem>> -> memref<68x128xi32, #tpu.memory_space<vmem>>
        %dma_wait3A_101 = arith.constant 0 : i32
        %dma_wait3A_102 = tpu.memref_slice %arg5[%select_n3A_8, %dma_wait3A_101] : memref<2592x128xi32, #tpu.memory_space<hbm>> -> memref<68x128xi32, #tpu.memory_space<hbm>>
        %dma_wait3A_103 = arith.constant 0 : i32
        %dma_wait3A_104 = arith.constant 0 : i32
        %dma_wait3A_105 = tpu.memref_slice %arg10[%dma_wait3A_103, %dma_wait3A_104] : memref<94x128xi32, #tpu.memory_space<vmem>> -> memref<68x128xi32, #tpu.memory_space<vmem>>
        %dma_wait3A_106 = arith.constant 0 : i32
        %dma_wait3A_107 = tpu.memref_slice %arg5[%select_n3A_8, %dma_wait3A_106] : memref<2592x128xi32, #tpu.memory_space<hbm>> -> memref<68x128xi32, #tpu.memory_space<hbm>>
        tpu.wait_dma2 semaphore(%run_scoped3A : memref<!tpu.dma_semaphore, #tpu.memory_space<semaphore_mem>>) src(%dma_wait3A_107 : memref<68x128xi32, #tpu.memory_space<hbm>>) dst(%dma_wait3A_105 : memref<68x128xi32, #tpu.memory_space<vmem>>)
        tpu.yield
      }) : () -> ()
    } else {
    }
    %dma_start3A = arith.constant 0 : i32
    %dma_start3A_49 = arith.constant 0 : i32
    %dma_start3A_50 = tpu.memref_slice %arg9[%dma_start3A, %dma_start3A_49] : memref<94x128xi32, #tpu.memory_space<vmem>> -> memref<1x128xi32, #tpu.memory_space<vmem>>
    %dma_start3A_51 = tpu.memref_squeeze %dma_start3A_50 : memref<1x128xi32, #tpu.memory_space<vmem>> -> memref<128xi32, #tpu.memory_space<vmem>>
    %dma_start3A_52 = arith.constant 0 : i32
    %dma_start3A_53 = arith.constant 0 : i32
    %dma_start3A_54 = tpu.memref_slice %arg2[%dma_start3A_52, %dma_start3A_53] : memref<10240x64xf32, #tpu.memory_space<hbm>> -> memref<10240x64xf32, #tpu.memory_space<hbm>>
    tpu.enqueue_indirect_dma source(%dma_start3A_54 : memref<10240x64xf32, #tpu.memory_space<hbm>>) target(%arg11 : memref<128x64xf32, #tpu.memory_space<vmem>>) offsets(%dma_start3A_51 : memref<128xi32, #tpu.memory_space<vmem>>) semaphore(%arg17 : memref<!tpu.dma_semaphore, #tpu.memory_space<semaphore_mem>>)
    %dma_start3A_55 = arith.constant 0 : i32
    %dma_start3A_56 = arith.constant 0 : i32
    %dma_start3A_57 = tpu.memref_slice %arg10[%dma_start3A_55, %dma_start3A_56] : memref<94x128xi32, #tpu.memory_space<vmem>> -> memref<1x128xi32, #tpu.memory_space<vmem>>
    %dma_start3A_58 = tpu.memref_squeeze %dma_start3A_57 : memref<1x128xi32, #tpu.memory_space<vmem>> -> memref<128xi32, #tpu.memory_space<vmem>>
    %dma_start3A_59 = arith.constant 0 : i32
    %dma_start3A_60 = arith.constant 0 : i32
    %dma_start3A_61 = tpu.memref_slice %arg3[%dma_start3A_59, %dma_start3A_60] : memref<10240x64xf32, #tpu.memory_space<hbm>> -> memref<10240x64xf32, #tpu.memory_space<hbm>>
    tpu.enqueue_indirect_dma source(%dma_start3A_61 : memref<10240x64xf32, #tpu.memory_space<hbm>>) target(%arg13 : memref<128x64xf32, #tpu.memory_space<vmem>>) offsets(%dma_start3A_58 : memref<128xi32, #tpu.memory_space<vmem>>) semaphore(%arg19 : memref<!tpu.dma_semaphore, #tpu.memory_space<semaphore_mem>>)
    %dma_start3A_62 = arith.constant 1 : i32
    %dma_start3A_63 = arith.constant 0 : i32
    %dma_start3A_64 = tpu.memref_slice %arg9[%dma_start3A_62, %dma_start3A_63] : memref<94x128xi32, #tpu.memory_space<vmem>> -> memref<1x128xi32, #tpu.memory_space<vmem>>
    %dma_start3A_65 = tpu.memref_squeeze %dma_start3A_64 : memref<1x128xi32, #tpu.memory_space<vmem>> -> memref<128xi32, #tpu.memory_space<vmem>>
    %dma_start3A_66 = arith.constant 0 : i32
    %dma_start3A_67 = arith.constant 0 : i32
    %dma_start3A_68 = tpu.memref_slice %arg2[%dma_start3A_66, %dma_start3A_67] : memref<10240x64xf32, #tpu.memory_space<hbm>> -> memref<10240x64xf32, #tpu.memory_space<hbm>>
    tpu.enqueue_indirect_dma source(%dma_start3A_68 : memref<10240x64xf32, #tpu.memory_space<hbm>>) target(%arg12 : memref<128x64xf32, #tpu.memory_space<vmem>>) offsets(%dma_start3A_65 : memref<128xi32, #tpu.memory_space<vmem>>) semaphore(%arg18 : memref<!tpu.dma_semaphore, #tpu.memory_space<semaphore_mem>>)
    %dma_start3A_69 = arith.constant 1 : i32
    %dma_start3A_70 = arith.constant 0 : i32
    %dma_start3A_71 = tpu.memref_slice %arg10[%dma_start3A_69, %dma_start3A_70] : memref<94x128xi32, #tpu.memory_space<vmem>> -> memref<1x128xi32, #tpu.memory_space<vmem>>
    %dma_start3A_72 = tpu.memref_squeeze %dma_start3A_71 : memref<1x128xi32, #tpu.memory_space<vmem>> -> memref<128xi32, #tpu.memory_space<vmem>>
    %dma_start3A_73 = arith.constant 0 : i32
    %dma_start3A_74 = arith.constant 0 : i32
    %dma_start3A_75 = tpu.memref_slice %arg3[%dma_start3A_73, %dma_start3A_74] : memref<10240x64xf32, #tpu.memory_space<hbm>> -> memref<10240x64xf32, #tpu.memory_space<hbm>>
    tpu.enqueue_indirect_dma source(%dma_start3A_75 : memref<10240x64xf32, #tpu.memory_space<hbm>>) target(%arg14 : memref<128x64xf32, #tpu.memory_space<vmem>>) offsets(%dma_start3A_72 : memref<128xi32, #tpu.memory_space<vmem>>) semaphore(%arg20 : memref<!tpu.dma_semaphore, #tpu.memory_space<semaphore_mem>>)
    %while3A = arith.constant 0 : i32
    %while3A_76 = arith.subi %select_n3A, %while3A : i32
    %while3A_77 = arith.addi %while3A, %while3A_76 : i32
    %while3A_78 = arith.constant 1 : i32
    %while3A_79 = arith.divsi %while3A_76, %while3A_78 : i32
    %while3A_80 = arith.muli %while3A_79, %while3A_78 : i32
    %while3A_81 = arith.addi %while3A, %while3A_80 : i32
    %while3A_82 = arith.constant 1 : i32
    scf.for %while3A_89 = %while3A to %while3A_81 step %while3A_82  : i32 {
      %mul3A_90 = arith.constant 2 : i32
      %mul3A_91 = arith.muli %mul3A_90, %while3A_89 : i32
      %add3A_92 = arith.constant 0 : i32
      %add3A_93 = arith.addi %mul3A_91, %add3A_92 : i32
      %dma_wait3A = arith.constant 0 : i32
      %dma_wait3A_94 = tpu.memref_slice %arg9[%add3A_93, %dma_wait3A] : memref<94x128xi32, #tpu.memory_space<vmem>> -> memref<1x128xi32, #tpu.memory_space<vmem>>
      %dma_wait3A_95 = tpu.memref_squeeze %dma_wait3A_94 : memref<1x128xi32, #tpu.memory_space<vmem>> -> memref<128xi32, #tpu.memory_space<vmem>>
      %dma_wait3A_96 = arith.constant 0 : i32
      %dma_wait3A_97 = arith.constant 0 : i32
      %dma_wait3A_98 = tpu.memref_slice %arg2[%dma_wait3A_96, %dma_wait3A_97] : memref<10240x64xf32, #tpu.memory_space<hbm>> -> memref<10240x64xf32, #tpu.memory_space<hbm>>
      tpu.wait_indirect_dma semaphore(%arg17 : memref<!tpu.dma_semaphore, #tpu.memory_space<semaphore_mem>>) src(%dma_wait3A_98 : memref<10240x64xf32, #tpu.memory_space<hbm>>) dst(%arg11 : memref<128x64xf32, #tpu.memory_space<vmem>>)
      %dma_wait3A_99 = arith.constant 0 : i32
      %dma_wait3A_100 = tpu.memref_slice %arg10[%add3A_93, %dma_wait3A_99] : memref<94x128xi32, #tpu.memory_space<vmem>> -> memref<1x128xi32, #tpu.memory_space<vmem>>
      %dma_wait3A_101 = tpu.memref_squeeze %dma_wait3A_100 : memref<1x128xi32, #tpu.memory_space<vmem>> -> memref<128xi32, #tpu.memory_space<vmem>>
      %dma_wait3A_102 = arith.constant 0 : i32
      %dma_wait3A_103 = arith.constant 0 : i32
      %dma_wait3A_104 = tpu.memref_slice %arg3[%dma_wait3A_102, %dma_wait3A_103] : memref<10240x64xf32, #tpu.memory_space<hbm>> -> memref<10240x64xf32, #tpu.memory_space<hbm>>
      tpu.wait_indirect_dma semaphore(%arg19 : memref<!tpu.dma_semaphore, #tpu.memory_space<semaphore_mem>>) src(%dma_wait3A_104 : memref<10240x64xf32, #tpu.memory_space<hbm>>) dst(%arg13 : memref<128x64xf32, #tpu.memory_space<vmem>>)
      %parallel_loop3A = arith.constant 0 : i32
      %parallel_loop3A_105 = arith.constant 128 : i32
      %parallel_loop3A_106 = arith.constant 1 : i32
      scf.for %parallel_loop3A_136 = %parallel_loop3A to %parallel_loop3A_105 step %parallel_loop3A_106  : i32 {
        %parallel_loop3A_137 = arith.index_cast %parallel_loop3A_136 : i32 to index
        %parallel_loop3A_138 = arith.constant 0 : index
        %parallel_loop3A_139 = tpu.vector_load %arg11[%parallel_loop3A_137, %parallel_loop3A_138] {strides = array<i32>} : memref<128x64xf32, #tpu.memory_space<vmem>>, vector<16xf32>,
        %parallel_loop3A_140 = arith.index_cast %parallel_loop3A_136 : i32 to index
        %parallel_loop3A_141 = arith.constant 16 : index
        %parallel_loop3A_142 = tpu.vector_load %arg11[%parallel_loop3A_140, %parallel_loop3A_141] {strides = array<i32>} : memref<128x64xf32, #tpu.memory_space<vmem>>, vector<16xf32>,
        %parallel_loop3A_143 = arith.index_cast %parallel_loop3A_136 : i32 to index
        %parallel_loop3A_144 = arith.constant 32 : index
        %parallel_loop3A_145 = tpu.vector_load %arg11[%parallel_loop3A_143, %parallel_loop3A_144] {strides = array<i32>} : memref<128x64xf32, #tpu.memory_space<vmem>>, vector<16xf32>,
        %parallel_loop3A_146 = arith.index_cast %parallel_loop3A_136 : i32 to index
        %parallel_loop3A_147 = arith.constant 48 : index
        %parallel_loop3A_148 = tpu.vector_load %arg11[%parallel_loop3A_146, %parallel_loop3A_147] {strides = array<i32>} : memref<128x64xf32, #tpu.memory_space<vmem>>, vector<16xf32>,
        %parallel_loop3A_149 = arith.index_cast %parallel_loop3A_136 : i32 to index
        %parallel_loop3A_150 = arith.constant 0 : index
        %parallel_loop3A_151 = tpu.vector_load %arg13[%parallel_loop3A_149, %parallel_loop3A_150] {strides = array<i32>} : memref<128x64xf32, #tpu.memory_space<vmem>>, vector<16xf32>,
        %parallel_loop3A_152 = arith.addf %parallel_loop3A_139, %parallel_loop3A_151 : vector<16xf32>
        %parallel_loop3A_153 = arith.constant 2.000000e-01 : f32
        %parallel_loop3A_154 = vector.broadcast %parallel_loop3A_153 : f32 to vector<16xf32>
        %parallel_loop3A_155 = arith.mulf %parallel_loop3A_152, %parallel_loop3A_154 : vector<16xf32>
        %parallel_loop3A_156 = arith.maximumf %parallel_loop3A_152, %parallel_loop3A_155 : vector<16xf32>
        %parallel_loop3A_157 = arith.mulf %parallel_loop3A_156, %get3A_34 : vector<16xf32>
        %parallel_loop3A_158 = arith.addf %broadcast_in_dim3A_9, %parallel_loop3A_157 : vector<16xf32>
        %parallel_loop3A_159 = arith.index_cast %parallel_loop3A_136 : i32 to index
        %parallel_loop3A_160 = arith.constant 16 : index
        %parallel_loop3A_161 = tpu.vector_load %arg13[%parallel_loop3A_159, %parallel_loop3A_160] {strides = array<i32>} : memref<128x64xf32, #tpu.memory_space<vmem>>, vector<16xf32>,
        %parallel_loop3A_162 = arith.addf %parallel_loop3A_142, %parallel_loop3A_161 : vector<16xf32>
        %parallel_loop3A_163 = arith.constant 2.000000e-01 : f32
        %parallel_loop3A_164 = vector.broadcast %parallel_loop3A_163 : f32 to vector<16xf32>
        %parallel_loop3A_165 = arith.mulf %parallel_loop3A_162, %parallel_loop3A_164 : vector<16xf32>
        %parallel_loop3A_166 = arith.maximumf %parallel_loop3A_162, %parallel_loop3A_165 : vector<16xf32>
        %parallel_loop3A_167 = arith.mulf %parallel_loop3A_166, %get3A_36 : vector<16xf32>
        %parallel_loop3A_168 = arith.addf %parallel_loop3A_158, %parallel_loop3A_167 : vector<16xf32>
        %parallel_loop3A_169 = arith.index_cast %parallel_loop3A_136 : i32 to index
        %parallel_loop3A_170 = arith.constant 32 : index
        %parallel_loop3A_171 = tpu.vector_load %arg13[%parallel_loop3A_169, %parallel_loop3A_170] {strides = array<i32>} : memref<128x64xf32, #tpu.memory_space<vmem>>, vector<16xf32>,
        %parallel_loop3A_172 = arith.addf %parallel_loop3A_145, %parallel_loop3A_171 : vector<16xf32>
        %parallel_loop3A_173 = arith.constant 2.000000e-01 : f32
        %parallel_loop3A_174 = vector.broadcast %parallel_loop3A_173 : f32 to vector<16xf32>
        %parallel_loop3A_175 = arith.mulf %parallel_loop3A_172, %parallel_loop3A_174 : vector<16xf32>
        %parallel_loop3A_176 = arith.maximumf %parallel_loop3A_172, %parallel_loop3A_175 : vector<16xf32>
        %parallel_loop3A_177 = arith.mulf %parallel_loop3A_176, %get3A_38 : vector<16xf32>
        %parallel_loop3A_178 = arith.addf %parallel_loop3A_168, %parallel_loop3A_177 : vector<16xf32>
        %parallel_loop3A_179 = arith.index_cast %parallel_loop3A_136 : i32 to index
        %parallel_loop3A_180 = arith.constant 48 : index
        %parallel_loop3A_181 = tpu.vector_load %arg13[%parallel_loop3A_179, %parallel_loop3A_180] {strides = array<i32>} : memref<128x64xf32, #tpu.memory_space<vmem>>, vector<16xf32>,
        %parallel_loop3A_182 = arith.addf %parallel_loop3A_148, %parallel_loop3A_181 : vector<16xf32>
        %parallel_loop3A_183 = arith.constant 2.000000e-01 : f32
        %parallel_loop3A_184 = vector.broadcast %parallel_loop3A_183 : f32 to vector<16xf32>
        %parallel_loop3A_185 = arith.mulf %parallel_loop3A_182, %parallel_loop3A_184 : vector<16xf32>
        %parallel_loop3A_186 = arith.maximumf %parallel_loop3A_182, %parallel_loop3A_185 : vector<16xf32>
        %parallel_loop3A_187 = arith.mulf %parallel_loop3A_186, %get3A_40 : vector<16xf32>
        %parallel_loop3A_188 = arith.addf %parallel_loop3A_178, %parallel_loop3A_187 : vector<16xf32>
        %parallel_loop3A_189 = arith.constant true
        %parallel_loop3A_190 = vector.broadcast %parallel_loop3A_189 : i1 to vector<16xi1>
        %parallel_loop3A_191 = tpu.scan <sum>, %parallel_loop3A_188 masked %parallel_loop3A_190 : vector<16xf32>, vector<16xi1> -> vector<16xf32>
        %parallel_loop3A_192 = vector.extract %parallel_loop3A_191[15] : f32 from vector<16xf32>
        %parallel_loop3A_193 = vector.broadcast %parallel_loop3A_192 : f32 to vector<16xf32>
        %parallel_loop3A_194 = math.exp %parallel_loop3A_193 : vector<16xf32>
        %parallel_loop3A_195 = arith.mulf %parallel_loop3A_139, %parallel_loop3A_194 : vector<16xf32>
        %parallel_loop3A_196 = arith.index_cast %parallel_loop3A_136 : i32 to index
        %parallel_loop3A_197 = arith.constant 0 : index
        %parallel_loop3A_198 = tpu.vector_load %arg15[%parallel_loop3A_196, %parallel_loop3A_197] {strides = array<i32>} : memref<128x80xf32, #tpu.memory_space<vmem>>, vector<16xf32>,
        tpu.vector_store %arg15[%parallel_loop3A_196, %parallel_loop3A_197], %parallel_loop3A_195 {strides = array<i32>} : memref<128x80xf32, #tpu.memory_space<vmem>>, vector<16xf32>,
        %parallel_loop3A_199 = arith.mulf %parallel_loop3A_142, %parallel_loop3A_194 : vector<16xf32>
        %parallel_loop3A_200 = arith.index_cast %parallel_loop3A_136 : i32 to index
        %parallel_loop3A_201 = arith.constant 16 : index
        %parallel_loop3A_202 = tpu.vector_load %arg15[%parallel_loop3A_200, %parallel_loop3A_201] {strides = array<i32>} : memref<128x80xf32, #tpu.memory_space<vmem>>, vector<16xf32>,
        tpu.vector_store %arg15[%parallel_loop3A_200, %parallel_loop3A_201], %parallel_loop3A_199 {strides = array<i32>} : memref<128x80xf32, #tpu.memory_space<vmem>>, vector<16xf32>,
        %parallel_loop3A_203 = arith.mulf %parallel_loop3A_145, %parallel_loop3A_194 : vector<16xf32>
        %parallel_loop3A_204 = arith.index_cast %parallel_loop3A_136 : i32 to index
        %parallel_loop3A_205 = arith.constant 32 : index
        %parallel_loop3A_206 = tpu.vector_load %arg15[%parallel_loop3A_204, %parallel_loop3A_205] {strides = array<i32>} : memref<128x80xf32, #tpu.memory_space<vmem>>, vector<16xf32>,
        tpu.vector_store %arg15[%parallel_loop3A_204, %parallel_loop3A_205], %parallel_loop3A_203 {strides = array<i32>} : memref<128x80xf32, #tpu.memory_space<vmem>>, vector<16xf32>,
        %parallel_loop3A_207 = arith.mulf %parallel_loop3A_148, %parallel_loop3A_194 : vector<16xf32>
        %parallel_loop3A_208 = arith.index_cast %parallel_loop3A_136 : i32 to index
        %parallel_loop3A_209 = arith.constant 48 : index
        %parallel_loop3A_210 = tpu.vector_load %arg15[%parallel_loop3A_208, %parallel_loop3A_209] {strides = array<i32>} : memref<128x80xf32, #tpu.memory_space<vmem>>, vector<16xf32>,
        tpu.vector_store %arg15[%parallel_loop3A_208, %parallel_loop3A_209], %parallel_loop3A_207 {strides = array<i32>} : memref<128x80xf32, #tpu.memory_space<vmem>>, vector<16xf32>,
        %parallel_loop3A_211 = arith.index_cast %parallel_loop3A_136 : i32 to index
        %parallel_loop3A_212 = arith.constant 64 : index
        %parallel_loop3A_213 = tpu.vector_load %arg15[%parallel_loop3A_211, %parallel_loop3A_212] {strides = array<i32>} : memref<128x80xf32, #tpu.memory_space<vmem>>, vector<16xf32>,
        tpu.vector_store %arg15[%parallel_loop3A_211, %parallel_loop3A_212], %parallel_loop3A_194 {strides = array<i32>} : memref<128x80xf32, #tpu.memory_space<vmem>>, vector<16xf32>,
      } {sc.loop_unroll_factor = 4 : i64, sc.parallel_access}
      %sub3A = arith.constant 1 : i32
      %sub3A_107 = arith.subi %select_n3A, %sub3A : i32
      %lt3A = arith.cmpi slt, %while3A_89, %sub3A_107 : i32
      %convert_element_type3A_108 = arith.extui %lt3A : i1 to i32
      %cond3A_109 = arith.constant 0 : i32
      %cond3A_110 = arith.cmpi ne, %convert_element_type3A_108, %cond3A_109 : i32
      scf.if %cond3A_110 {
        %add3A_136 = arith.constant 2 : i32
        %add3A_137 = arith.addi %add3A_93, %add3A_136 : i32
        %dma_start3A_138 = arith.constant 0 : i32
        %dma_start3A_139 = tpu.memref_slice %arg9[%add3A_137, %dma_start3A_138] : memref<94x128xi32, #tpu.memory_space<vmem>> -> memref<1x128xi32, #tpu.memory_space<vmem>>
        %dma_start3A_140 = tpu.memref_squeeze %dma_start3A_139 : memref<1x128xi32, #tpu.memory_space<vmem>> -> memref<128xi32, #tpu.memory_space<vmem>>
        %dma_start3A_141 = arith.constant 0 : i32
        %dma_start3A_142 = arith.constant 0 : i32
        %dma_start3A_143 = tpu.memref_slice %arg2[%dma_start3A_141, %dma_start3A_142] : memref<10240x64xf32, #tpu.memory_space<hbm>> -> memref<10240x64xf32, #tpu.memory_space<hbm>>
        tpu.enqueue_indirect_dma source(%dma_start3A_143 : memref<10240x64xf32, #tpu.memory_space<hbm>>) target(%arg11 : memref<128x64xf32, #tpu.memory_space<vmem>>) offsets(%dma_start3A_140 : memref<128xi32, #tpu.memory_space<vmem>>) semaphore(%arg17 : memref<!tpu.dma_semaphore, #tpu.memory_space<semaphore_mem>>)
        %dma_start3A_144 = arith.constant 0 : i32
        %dma_start3A_145 = tpu.memref_slice %arg10[%add3A_137, %dma_start3A_144] : memref<94x128xi32, #tpu.memory_space<vmem>> -> memref<1x128xi32, #tpu.memory_space<vmem>>
        %dma_start3A_146 = tpu.memref_squeeze %dma_start3A_145 : memref<1x128xi32, #tpu.memory_space<vmem>> -> memref<128xi32, #tpu.memory_space<vmem>>
        %dma_start3A_147 = arith.constant 0 : i32
        %dma_start3A_148 = arith.constant 0 : i32
        %dma_start3A_149 = tpu.memref_slice %arg3[%dma_start3A_147, %dma_start3A_148] : memref<10240x64xf32, #tpu.memory_space<hbm>> -> memref<10240x64xf32, #tpu.memory_space<hbm>>
        tpu.enqueue_indirect_dma source(%dma_start3A_149 : memref<10240x64xf32, #tpu.memory_space<hbm>>) target(%arg13 : memref<128x64xf32, #tpu.memory_space<vmem>>) offsets(%dma_start3A_146 : memref<128xi32, #tpu.memory_space<vmem>>) semaphore(%arg19 : memref<!tpu.dma_semaphore, #tpu.memory_space<semaphore_mem>>)
      } else {
      }
      "tpu.region"() ({
        %run_scoped3A = tpu.sem_alloc : memref<!tpu.dma_semaphore, #tpu.memory_space<semaphore_mem>>
        %dma_start3A_136 = arith.constant 0 : i32
        %dma_start3A_137 = tpu.memref_slice %arg10[%add3A_93, %dma_start3A_136] : memref<94x128xi32, #tpu.memory_space<vmem>> -> memref<1x128xi32, #tpu.memory_space<vmem>>
        %dma_start3A_138 = tpu.memref_squeeze %dma_start3A_137 : memref<1x128xi32, #tpu.memory_space<vmem>> -> memref<128xi32, #tpu.memory_space<vmem>>
        %dma_start3A_139 = arith.constant 0 : i32
        %dma_start3A_140 = arith.constant 0 : i32
        %dma_start3A_141 = tpu.memref_slice %arg16[%dma_start3A_139, %dma_start3A_140] : memref<10240x80xf32, #tpu.memory_space<vmem_shared>> -> memref<10240x80xf32, #tpu.memory_space<vmem_shared>>
        tpu.enqueue_indirect_dma source(%arg15 : memref<128x80xf32, #tpu.memory_space<vmem>>) target(%dma_start3A_141 : memref<10240x80xf32, #tpu.memory_space<vmem_shared>>) offsets(%dma_start3A_138 : memref<128xi32, #tpu.memory_space<vmem>>) semaphore(%run_scoped3A : memref<!tpu.dma_semaphore, #tpu.memory_space<semaphore_mem>>) {add = true}
        %dma_wait3A_142 = arith.constant 0 : i32
        %dma_wait3A_143 = tpu.memref_slice %arg10[%add3A_93, %dma_wait3A_142] : memref<94x128xi32, #tpu.memory_space<vmem>> -> memref<1x128xi32, #tpu.memory_space<vmem>>
        %dma_wait3A_144 = tpu.memref_squeeze %dma_wait3A_143 : memref<1x128xi32, #tpu.memory_space<vmem>> -> memref<128xi32, #tpu.memory_space<vmem>>
        %dma_wait3A_145 = arith.constant 0 : i32
        %dma_wait3A_146 = arith.constant 0 : i32
        %dma_wait3A_147 = tpu.memref_slice %arg16[%dma_wait3A_145, %dma_wait3A_146] : memref<10240x80xf32, #tpu.memory_space<vmem_shared>> -> memref<10240x80xf32, #tpu.memory_space<vmem_shared>>
        tpu.wait_indirect_dma semaphore(%run_scoped3A : memref<!tpu.dma_semaphore, #tpu.memory_space<semaphore_mem>>) src(%arg15 : memref<128x80xf32, #tpu.memory_space<vmem>>) dst(%dma_wait3A_147 : memref<10240x80xf32, #tpu.memory_space<vmem_shared>>)
        tpu.yield
      }) : () -> ()
      %mul3A_111 = arith.constant 2 : i32
      %mul3A_112 = arith.muli %mul3A_111, %while3A_89 : i32
      %add3A_113 = arith.constant 1 : i32
      %add3A_114 = arith.addi %mul3A_112, %add3A_113 : i32
      %dma_wait3A_115 = arith.constant 0 : i32
      %dma_wait3A_116 = tpu.memref_slice %arg9[%add3A_114, %dma_wait3A_115] : memref<94x128xi32, #tpu.memory_space<vmem>> -> memref<1x128xi32, #tpu.memory_space<vmem>>
      %dma_wait3A_117 = tpu.memref_squeeze %dma_wait3A_116 : memref<1x128xi32, #tpu.memory_space<vmem>> -> memref<128xi32, #tpu.memory_space<vmem>>
      %dma_wait3A_118 = arith.constant 0 : i32
      %dma_wait3A_119 = arith.constant 0 : i32
      %dma_wait3A_120 = tpu.memref_slice %arg2[%dma_wait3A_118, %dma_wait3A_119] : memref<10240x64xf32, #tpu.memory_space<hbm>> -> memref<10240x64xf32, #tpu.memory_space<hbm>>
      tpu.wait_indirect_dma semaphore(%arg18 : memref<!tpu.dma_semaphore, #tpu.memory_space<semaphore_mem>>) src(%dma_wait3A_120 : memref<10240x64xf32, #tpu.memory_space<hbm>>) dst(%arg12 : memref<128x64xf32, #tpu.memory_space<vmem>>)
      %dma_wait3A_121 = arith.constant 0 : i32
      %dma_wait3A_122 = tpu.memref_slice %arg10[%add3A_114, %dma_wait3A_121] : memref<94x128xi32, #tpu.memory_space<vmem>> -> memref<1x128xi32, #tpu.memory_space<vmem>>
      %dma_wait3A_123 = tpu.memref_squeeze %dma_wait3A_122 : memref<1x128xi32, #tpu.memory_space<vmem>> -> memref<128xi32, #tpu.memory_space<vmem>>
      %dma_wait3A_124 = arith.constant 0 : i32
      %dma_wait3A_125 = arith.constant 0 : i32
      %dma_wait3A_126 = tpu.memref_slice %arg3[%dma_wait3A_124, %dma_wait3A_125] : memref<10240x64xf32, #tpu.memory_space<hbm>> -> memref<10240x64xf32, #tpu.memory_space<hbm>>
      tpu.wait_indirect_dma semaphore(%arg20 : memref<!tpu.dma_semaphore, #tpu.memory_space<semaphore_mem>>) src(%dma_wait3A_126 : memref<10240x64xf32, #tpu.memory_space<hbm>>) dst(%arg14 : memref<128x64xf32, #tpu.memory_space<vmem>>)
      %parallel_loop3A_127 = arith.constant 0 : i32
      %parallel_loop3A_128 = arith.constant 128 : i32
      %parallel_loop3A_129 = arith.constant 1 : i32
      scf.for %parallel_loop3A_136 = %parallel_loop3A_127 to %parallel_loop3A_128 step %parallel_loop3A_129  : i32 {
        %parallel_loop3A_137 = arith.index_cast %parallel_loop3A_136 : i32 to index
        %parallel_loop3A_138 = arith.constant 0 : index
        %parallel_loop3A_139 = tpu.vector_load %arg12[%parallel_loop3A_137, %parallel_loop3A_138] {strides = array<i32>} : memref<128x64xf32, #tpu.memory_space<vmem>>, vector<16xf32>,
        %parallel_loop3A_140 = arith.index_cast %parallel_loop3A_136 : i32 to index
        %parallel_loop3A_141 = arith.constant 16 : index
        %parallel_loop3A_142 = tpu.vector_load %arg12[%parallel_loop3A_140, %parallel_loop3A_141] {strides = array<i32>} : memref<128x64xf32, #tpu.memory_space<vmem>>, vector<16xf32>,
        %parallel_loop3A_143 = arith.index_cast %parallel_loop3A_136 : i32 to index
        %parallel_loop3A_144 = arith.constant 32 : index
        %parallel_loop3A_145 = tpu.vector_load %arg12[%parallel_loop3A_143, %parallel_loop3A_144] {strides = array<i32>} : memref<128x64xf32, #tpu.memory_space<vmem>>, vector<16xf32>,
        %parallel_loop3A_146 = arith.index_cast %parallel_loop3A_136 : i32 to index
        %parallel_loop3A_147 = arith.constant 48 : index
        %parallel_loop3A_148 = tpu.vector_load %arg12[%parallel_loop3A_146, %parallel_loop3A_147] {strides = array<i32>} : memref<128x64xf32, #tpu.memory_space<vmem>>, vector<16xf32>,
        %parallel_loop3A_149 = arith.index_cast %parallel_loop3A_136 : i32 to index
        %parallel_loop3A_150 = arith.constant 0 : index
        %parallel_loop3A_151 = tpu.vector_load %arg14[%parallel_loop3A_149, %parallel_loop3A_150] {strides = array<i32>} : memref<128x64xf32, #tpu.memory_space<vmem>>, vector<16xf32>,
        %parallel_loop3A_152 = arith.addf %parallel_loop3A_139, %parallel_loop3A_151 : vector<16xf32>
        %parallel_loop3A_153 = arith.constant 2.000000e-01 : f32
        %parallel_loop3A_154 = vector.broadcast %parallel_loop3A_153 : f32 to vector<16xf32>
        %parallel_loop3A_155 = arith.mulf %parallel_loop3A_152, %parallel_loop3A_154 : vector<16xf32>
        %parallel_loop3A_156 = arith.maximumf %parallel_loop3A_152, %parallel_loop3A_155 : vector<16xf32>
        %parallel_loop3A_157 = arith.mulf %parallel_loop3A_156, %get3A_34 : vector<16xf32>
        %parallel_loop3A_158 = arith.addf %broadcast_in_dim3A_9, %parallel_loop3A_157 : vector<16xf32>
        %parallel_loop3A_159 = arith.index_cast %parallel_loop3A_136 : i32 to index
        %parallel_loop3A_160 = arith.constant 16 : index
        %parallel_loop3A_161 = tpu.vector_load %arg14[%parallel_loop3A_159, %parallel_loop3A_160] {strides = array<i32>} : memref<128x64xf32, #tpu.memory_space<vmem>>, vector<16xf32>,
        %parallel_loop3A_162 = arith.addf %parallel_loop3A_142, %parallel_loop3A_161 : vector<16xf32>
        %parallel_loop3A_163 = arith.constant 2.000000e-01 : f32
        %parallel_loop3A_164 = vector.broadcast %parallel_loop3A_163 : f32 to vector<16xf32>
        %parallel_loop3A_165 = arith.mulf %parallel_loop3A_162, %parallel_loop3A_164 : vector<16xf32>
        %parallel_loop3A_166 = arith.maximumf %parallel_loop3A_162, %parallel_loop3A_165 : vector<16xf32>
        %parallel_loop3A_167 = arith.mulf %parallel_loop3A_166, %get3A_36 : vector<16xf32>
        %parallel_loop3A_168 = arith.addf %parallel_loop3A_158, %parallel_loop3A_167 : vector<16xf32>
        %parallel_loop3A_169 = arith.index_cast %parallel_loop3A_136 : i32 to index
        %parallel_loop3A_170 = arith.constant 32 : index
        %parallel_loop3A_171 = tpu.vector_load %arg14[%parallel_loop3A_169, %parallel_loop3A_170] {strides = array<i32>} : memref<128x64xf32, #tpu.memory_space<vmem>>, vector<16xf32>,
        %parallel_loop3A_172 = arith.addf %parallel_loop3A_145, %parallel_loop3A_171 : vector<16xf32>
        %parallel_loop3A_173 = arith.constant 2.000000e-01 : f32
        %parallel_loop3A_174 = vector.broadcast %parallel_loop3A_173 : f32 to vector<16xf32>
        %parallel_loop3A_175 = arith.mulf %parallel_loop3A_172, %parallel_loop3A_174 : vector<16xf32>
        %parallel_loop3A_176 = arith.maximumf %parallel_loop3A_172, %parallel_loop3A_175 : vector<16xf32>
        %parallel_loop3A_177 = arith.mulf %parallel_loop3A_176, %get3A_38 : vector<16xf32>
        %parallel_loop3A_178 = arith.addf %parallel_loop3A_168, %parallel_loop3A_177 : vector<16xf32>
        %parallel_loop3A_179 = arith.index_cast %parallel_loop3A_136 : i32 to index
        %parallel_loop3A_180 = arith.constant 48 : index
        %parallel_loop3A_181 = tpu.vector_load %arg14[%parallel_loop3A_179, %parallel_loop3A_180] {strides = array<i32>} : memref<128x64xf32, #tpu.memory_space<vmem>>, vector<16xf32>,
        %parallel_loop3A_182 = arith.addf %parallel_loop3A_148, %parallel_loop3A_181 : vector<16xf32>
        %parallel_loop3A_183 = arith.constant 2.000000e-01 : f32
        %parallel_loop3A_184 = vector.broadcast %parallel_loop3A_183 : f32 to vector<16xf32>
        %parallel_loop3A_185 = arith.mulf %parallel_loop3A_182, %parallel_loop3A_184 : vector<16xf32>
        %parallel_loop3A_186 = arith.maximumf %parallel_loop3A_182, %parallel_loop3A_185 : vector<16xf32>
        %parallel_loop3A_187 = arith.mulf %parallel_loop3A_186, %get3A_40 : vector<16xf32>
        %parallel_loop3A_188 = arith.addf %parallel_loop3A_178, %parallel_loop3A_187 : vector<16xf32>
        %parallel_loop3A_189 = arith.constant true
        %parallel_loop3A_190 = vector.broadcast %parallel_loop3A_189 : i1 to vector<16xi1>
        %parallel_loop3A_191 = tpu.scan <sum>, %parallel_loop3A_188 masked %parallel_loop3A_190 : vector<16xf32>, vector<16xi1> -> vector<16xf32>
        %parallel_loop3A_192 = vector.extract %parallel_loop3A_191[15] : f32 from vector<16xf32>
        %parallel_loop3A_193 = vector.broadcast %parallel_loop3A_192 : f32 to vector<16xf32>
        %parallel_loop3A_194 = math.exp %parallel_loop3A_193 : vector<16xf32>
        %parallel_loop3A_195 = arith.mulf %parallel_loop3A_139, %parallel_loop3A_194 : vector<16xf32>
        %parallel_loop3A_196 = arith.index_cast %parallel_loop3A_136 : i32 to index
        %parallel_loop3A_197 = arith.constant 0 : index
        %parallel_loop3A_198 = tpu.vector_load %arg15[%parallel_loop3A_196, %parallel_loop3A_197] {strides = array<i32>} : memref<128x80xf32, #tpu.memory_space<vmem>>, vector<16xf32>,
        tpu.vector_store %arg15[%parallel_loop3A_196, %parallel_loop3A_197], %parallel_loop3A_195 {strides = array<i32>} : memref<128x80xf32, #tpu.memory_space<vmem>>, vector<16xf32>,
        %parallel_loop3A_199 = arith.mulf %parallel_loop3A_142, %parallel_loop3A_194 : vector<16xf32>
        %parallel_loop3A_200 = arith.index_cast %parallel_loop3A_136 : i32 to index
        %parallel_loop3A_201 = arith.constant 16 : index
        %parallel_loop3A_202 = tpu.vector_load %arg15[%parallel_loop3A_200, %parallel_loop3A_201] {strides = array<i32>} : memref<128x80xf32, #tpu.memory_space<vmem>>, vector<16xf32>,
        tpu.vector_store %arg15[%parallel_loop3A_200, %parallel_loop3A_201], %parallel_loop3A_199 {strides = array<i32>} : memref<128x80xf32, #tpu.memory_space<vmem>>, vector<16xf32>,
        %parallel_loop3A_203 = arith.mulf %parallel_loop3A_145, %parallel_loop3A_194 : vector<16xf32>
        %parallel_loop3A_204 = arith.index_cast %parallel_loop3A_136 : i32 to index
        %parallel_loop3A_205 = arith.constant 32 : index
        %parallel_loop3A_206 = tpu.vector_load %arg15[%parallel_loop3A_204, %parallel_loop3A_205] {strides = array<i32>} : memref<128x80xf32, #tpu.memory_space<vmem>>, vector<16xf32>,
        tpu.vector_store %arg15[%parallel_loop3A_204, %parallel_loop3A_205], %parallel_loop3A_203 {strides = array<i32>} : memref<128x80xf32, #tpu.memory_space<vmem>>, vector<16xf32>,
        %parallel_loop3A_207 = arith.mulf %parallel_loop3A_148, %parallel_loop3A_194 : vector<16xf32>
        %parallel_loop3A_208 = arith.index_cast %parallel_loop3A_136 : i32 to index
        %parallel_loop3A_209 = arith.constant 48 : index
        %parallel_loop3A_210 = tpu.vector_load %arg15[%parallel_loop3A_208, %parallel_loop3A_209] {strides = array<i32>} : memref<128x80xf32, #tpu.memory_space<vmem>>, vector<16xf32>,
        tpu.vector_store %arg15[%parallel_loop3A_208, %parallel_loop3A_209], %parallel_loop3A_207 {strides = array<i32>} : memref<128x80xf32, #tpu.memory_space<vmem>>, vector<16xf32>,
        %parallel_loop3A_211 = arith.index_cast %parallel_loop3A_136 : i32 to index
        %parallel_loop3A_212 = arith.constant 64 : index
        %parallel_loop3A_213 = tpu.vector_load %arg15[%parallel_loop3A_211, %parallel_loop3A_212] {strides = array<i32>} : memref<128x80xf32, #tpu.memory_space<vmem>>, vector<16xf32>,
        tpu.vector_store %arg15[%parallel_loop3A_211, %parallel_loop3A_212], %parallel_loop3A_194 {strides = array<i32>} : memref<128x80xf32, #tpu.memory_space<vmem>>, vector<16xf32>,
      } {sc.loop_unroll_factor = 4 : i64, sc.parallel_access}
      %sub3A_130 = arith.constant 1 : i32
      %sub3A_131 = arith.subi %select_n3A, %sub3A_130 : i32
      %lt3A_132 = arith.cmpi slt, %while3A_89, %sub3A_131 : i32
      %convert_element_type3A_133 = arith.extui %lt3A_132 : i1 to i32
      %cond3A_134 = arith.constant 0 : i32
      %cond3A_135 = arith.cmpi ne, %convert_element_type3A_133, %cond3A_134 : i32
      scf.if %cond3A_135 {
        %add3A_136 = arith.constant 2 : i32
        %add3A_137 = arith.addi %add3A_114, %add3A_136 : i32
        %dma_start3A_138 = arith.constant 0 : i32
        %dma_start3A_139 = tpu.memref_slice %arg9[%add3A_137, %dma_start3A_138] : memref<94x128xi32, #tpu.memory_space<vmem>> -> memref<1x128xi32, #tpu.memory_space<vmem>>
        %dma_start3A_140 = tpu.memref_squeeze %dma_start3A_139 : memref<1x128xi32, #tpu.memory_space<vmem>> -> memref<128xi32, #tpu.memory_space<vmem>>
        %dma_start3A_141 = arith.constant 0 : i32
        %dma_start3A_142 = arith.constant 0 : i32
        %dma_start3A_143 = tpu.memref_slice %arg2[%dma_start3A_141, %dma_start3A_142] : memref<10240x64xf32, #tpu.memory_space<hbm>> -> memref<10240x64xf32, #tpu.memory_space<hbm>>
        tpu.enqueue_indirect_dma source(%dma_start3A_143 : memref<10240x64xf32, #tpu.memory_space<hbm>>) target(%arg12 : memref<128x64xf32, #tpu.memory_space<vmem>>) offsets(%dma_start3A_140 : memref<128xi32, #tpu.memory_space<vmem>>) semaphore(%arg18 : memref<!tpu.dma_semaphore, #tpu.memory_space<semaphore_mem>>)
        %dma_start3A_144 = arith.constant 0 : i32
        %dma_start3A_145 = tpu.memref_slice %arg10[%add3A_137, %dma_start3A_144] : memref<94x128xi32, #tpu.memory_space<vmem>> -> memref<1x128xi32, #tpu.memory_space<vmem>>
        %dma_start3A_146 = tpu.memref_squeeze %dma_start3A_145 : memref<1x128xi32, #tpu.memory_space<vmem>> -> memref<128xi32, #tpu.memory_space<vmem>>
        %dma_start3A_147 = arith.constant 0 : i32
        %dma_start3A_148 = arith.constant 0 : i32
        %dma_start3A_149 = tpu.memref_slice %arg3[%dma_start3A_147, %dma_start3A_148] : memref<10240x64xf32, #tpu.memory_space<hbm>> -> memref<10240x64xf32, #tpu.memory_space<hbm>>
        tpu.enqueue_indirect_dma source(%dma_start3A_149 : memref<10240x64xf32, #tpu.memory_space<hbm>>) target(%arg14 : memref<128x64xf32, #tpu.memory_space<vmem>>) offsets(%dma_start3A_146 : memref<128xi32, #tpu.memory_space<vmem>>) semaphore(%arg20 : memref<!tpu.dma_semaphore, #tpu.memory_space<semaphore_mem>>)
      } else {
      }
      "tpu.region"() ({
        %run_scoped3A = tpu.sem_alloc : memref<!tpu.dma_semaphore, #tpu.memory_space<semaphore_mem>>
        %dma_start3A_136 = arith.constant 0 : i32
        %dma_start3A_137 = tpu.memref_slice %arg10[%add3A_114, %dma_start3A_136] : memref<94x128xi32, #tpu.memory_space<vmem>> -> memref<1x128xi32, #tpu.memory_space<vmem>>
        %dma_start3A_138 = tpu.memref_squeeze %dma_start3A_137 : memref<1x128xi32, #tpu.memory_space<vmem>> -> memref<128xi32, #tpu.memory_space<vmem>>
        %dma_start3A_139 = arith.constant 0 : i32
        %dma_start3A_140 = arith.constant 0 : i32
        %dma_start3A_141 = tpu.memref_slice %arg16[%dma_start3A_139, %dma_start3A_140] : memref<10240x80xf32, #tpu.memory_space<vmem_shared>> -> memref<10240x80xf32, #tpu.memory_space<vmem_shared>>
        tpu.enqueue_indirect_dma source(%arg15 : memref<128x80xf32, #tpu.memory_space<vmem>>) target(%dma_start3A_141 : memref<10240x80xf32, #tpu.memory_space<vmem_shared>>) offsets(%dma_start3A_138 : memref<128xi32, #tpu.memory_space<vmem>>) semaphore(%run_scoped3A : memref<!tpu.dma_semaphore, #tpu.memory_space<semaphore_mem>>) {add = true}
        %dma_wait3A_142 = arith.constant 0 : i32
        %dma_wait3A_143 = tpu.memref_slice %arg10[%add3A_114, %dma_wait3A_142] : memref<94x128xi32, #tpu.memory_space<vmem>> -> memref<1x128xi32, #tpu.memory_space<vmem>>
        %dma_wait3A_144 = tpu.memref_squeeze %dma_wait3A_143 : memref<1x128xi32, #tpu.memory_space<vmem>> -> memref<128xi32, #tpu.memory_space<vmem>>
        %dma_wait3A_145 = arith.constant 0 : i32
        %dma_wait3A_146 = arith.constant 0 : i32
        %dma_wait3A_147 = tpu.memref_slice %arg16[%dma_wait3A_145, %dma_wait3A_146] : memref<10240x80xf32, #tpu.memory_space<vmem_shared>> -> memref<10240x80xf32, #tpu.memory_space<vmem_shared>>
        tpu.wait_indirect_dma semaphore(%run_scoped3A : memref<!tpu.dma_semaphore, #tpu.memory_space<semaphore_mem>>) src(%arg15 : memref<128x80xf32, #tpu.memory_space<vmem>>) dst(%dma_wait3A_147 : memref<10240x80xf32, #tpu.memory_space<vmem_shared>>)
        tpu.yield
      }) : () -> ()
    }
    %while3A_83 = arith.constant 1 : i32
    scf.for %while3A_89 = %while3A_81 to %while3A_77 step %while3A_83  : i32 {
      %mul3A_90 = arith.constant 2 : i32
      %mul3A_91 = arith.muli %mul3A_90, %while3A_89 : i32
      %add3A_92 = arith.constant 0 : i32
      %add3A_93 = arith.addi %mul3A_91, %add3A_92 : i32
      %dma_wait3A = arith.constant 0 : i32
      %dma_wait3A_94 = tpu.memref_slice %arg9[%add3A_93, %dma_wait3A] : memref<94x128xi32, #tpu.memory_space<vmem>> -> memref<1x128xi32, #tpu.memory_space<vmem>>
      %dma_wait3A_95 = tpu.memref_squeeze %dma_wait3A_94 : memref<1x128xi32, #tpu.memory_space<vmem>> -> memref<128xi32, #tpu.memory_space<vmem>>
      %dma_wait3A_96 = arith.constant 0 : i32
      %dma_wait3A_97 = arith.constant 0 : i32
      %dma_wait3A_98 = tpu.memref_slice %arg2[%dma_wait3A_96, %dma_wait3A_97] : memref<10240x64xf32, #tpu.memory_space<hbm>> -> memref<10240x64xf32, #tpu.memory_space<hbm>>
      tpu.wait_indirect_dma semaphore(%arg17 : memref<!tpu.dma_semaphore, #tpu.memory_space<semaphore_mem>>) src(%dma_wait3A_98 : memref<10240x64xf32, #tpu.memory_space<hbm>>) dst(%arg11 : memref<128x64xf32, #tpu.memory_space<vmem>>)
      %dma_wait3A_99 = arith.constant 0 : i32
      %dma_wait3A_100 = tpu.memref_slice %arg10[%add3A_93, %dma_wait3A_99] : memref<94x128xi32, #tpu.memory_space<vmem>> -> memref<1x128xi32, #tpu.memory_space<vmem>>
      %dma_wait3A_101 = tpu.memref_squeeze %dma_wait3A_100 : memref<1x128xi32, #tpu.memory_space<vmem>> -> memref<128xi32, #tpu.memory_space<vmem>>
      %dma_wait3A_102 = arith.constant 0 : i32
      %dma_wait3A_103 = arith.constant 0 : i32
      %dma_wait3A_104 = tpu.memref_slice %arg3[%dma_wait3A_102, %dma_wait3A_103] : memref<10240x64xf32, #tpu.memory_space<hbm>> -> memref<10240x64xf32, #tpu.memory_space<hbm>>
      tpu.wait_indirect_dma semaphore(%arg19 : memref<!tpu.dma_semaphore, #tpu.memory_space<semaphore_mem>>) src(%dma_wait3A_104 : memref<10240x64xf32, #tpu.memory_space<hbm>>) dst(%arg13 : memref<128x64xf32, #tpu.memory_space<vmem>>)
      %parallel_loop3A = arith.constant 0 : i32
      %parallel_loop3A_105 = arith.constant 128 : i32
      %parallel_loop3A_106 = arith.constant 1 : i32
      scf.for %parallel_loop3A_136 = %parallel_loop3A to %parallel_loop3A_105 step %parallel_loop3A_106  : i32 {
        %parallel_loop3A_137 = arith.index_cast %parallel_loop3A_136 : i32 to index
        %parallel_loop3A_138 = arith.constant 0 : index
        %parallel_loop3A_139 = tpu.vector_load %arg11[%parallel_loop3A_137, %parallel_loop3A_138] {strides = array<i32>} : memref<128x64xf32, #tpu.memory_space<vmem>>, vector<16xf32>,
        %parallel_loop3A_140 = arith.index_cast %parallel_loop3A_136 : i32 to index
        %parallel_loop3A_141 = arith.constant 16 : index
        %parallel_loop3A_142 = tpu.vector_load %arg11[%parallel_loop3A_140, %parallel_loop3A_141] {strides = array<i32>} : memref<128x64xf32, #tpu.memory_space<vmem>>, vector<16xf32>,
        %parallel_loop3A_143 = arith.index_cast %parallel_loop3A_136 : i32 to index
        %parallel_loop3A_144 = arith.constant 32 : index
        %parallel_loop3A_145 = tpu.vector_load %arg11[%parallel_loop3A_143, %parallel_loop3A_144] {strides = array<i32>} : memref<128x64xf32, #tpu.memory_space<vmem>>, vector<16xf32>,
        %parallel_loop3A_146 = arith.index_cast %parallel_loop3A_136 : i32 to index
        %parallel_loop3A_147 = arith.constant 48 : index
        %parallel_loop3A_148 = tpu.vector_load %arg11[%parallel_loop3A_146, %parallel_loop3A_147] {strides = array<i32>} : memref<128x64xf32, #tpu.memory_space<vmem>>, vector<16xf32>,
        %parallel_loop3A_149 = arith.index_cast %parallel_loop3A_136 : i32 to index
        %parallel_loop3A_150 = arith.constant 0 : index
        %parallel_loop3A_151 = tpu.vector_load %arg13[%parallel_loop3A_149, %parallel_loop3A_150] {strides = array<i32>} : memref<128x64xf32, #tpu.memory_space<vmem>>, vector<16xf32>,
        %parallel_loop3A_152 = arith.addf %parallel_loop3A_139, %parallel_loop3A_151 : vector<16xf32>
        %parallel_loop3A_153 = arith.constant 2.000000e-01 : f32
        %parallel_loop3A_154 = vector.broadcast %parallel_loop3A_153 : f32 to vector<16xf32>
        %parallel_loop3A_155 = arith.mulf %parallel_loop3A_152, %parallel_loop3A_154 : vector<16xf32>
        %parallel_loop3A_156 = arith.maximumf %parallel_loop3A_152, %parallel_loop3A_155 : vector<16xf32>
        %parallel_loop3A_157 = arith.mulf %parallel_loop3A_156, %get3A_34 : vector<16xf32>
        %parallel_loop3A_158 = arith.addf %broadcast_in_dim3A_9, %parallel_loop3A_157 : vector<16xf32>
        %parallel_loop3A_159 = arith.index_cast %parallel_loop3A_136 : i32 to index
        %parallel_loop3A_160 = arith.constant 16 : index
        %parallel_loop3A_161 = tpu.vector_load %arg13[%parallel_loop3A_159, %parallel_loop3A_160] {strides = array<i32>} : memref<128x64xf32, #tpu.memory_space<vmem>>, vector<16xf32>,
        %parallel_loop3A_162 = arith.addf %parallel_loop3A_142, %parallel_loop3A_161 : vector<16xf32>
        %parallel_loop3A_163 = arith.constant 2.000000e-01 : f32
        %parallel_loop3A_164 = vector.broadcast %parallel_loop3A_163 : f32 to vector<16xf32>
        %parallel_loop3A_165 = arith.mulf %parallel_loop3A_162, %parallel_loop3A_164 : vector<16xf32>
        %parallel_loop3A_166 = arith.maximumf %parallel_loop3A_162, %parallel_loop3A_165 : vector<16xf32>
        %parallel_loop3A_167 = arith.mulf %parallel_loop3A_166, %get3A_36 : vector<16xf32>
        %parallel_loop3A_168 = arith.addf %parallel_loop3A_158, %parallel_loop3A_167 : vector<16xf32>
        %parallel_loop3A_169 = arith.index_cast %parallel_loop3A_136 : i32 to index
        %parallel_loop3A_170 = arith.constant 32 : index
        %parallel_loop3A_171 = tpu.vector_load %arg13[%parallel_loop3A_169, %parallel_loop3A_170] {strides = array<i32>} : memref<128x64xf32, #tpu.memory_space<vmem>>, vector<16xf32>,
        %parallel_loop3A_172 = arith.addf %parallel_loop3A_145, %parallel_loop3A_171 : vector<16xf32>
        %parallel_loop3A_173 = arith.constant 2.000000e-01 : f32
        %parallel_loop3A_174 = vector.broadcast %parallel_loop3A_173 : f32 to vector<16xf32>
        %parallel_loop3A_175 = arith.mulf %parallel_loop3A_172, %parallel_loop3A_174 : vector<16xf32>
        %parallel_loop3A_176 = arith.maximumf %parallel_loop3A_172, %parallel_loop3A_175 : vector<16xf32>
        %parallel_loop3A_177 = arith.mulf %parallel_loop3A_176, %get3A_38 : vector<16xf32>
        %parallel_loop3A_178 = arith.addf %parallel_loop3A_168, %parallel_loop3A_177 : vector<16xf32>
        %parallel_loop3A_179 = arith.index_cast %parallel_loop3A_136 : i32 to index
        %parallel_loop3A_180 = arith.constant 48 : index
        %parallel_loop3A_181 = tpu.vector_load %arg13[%parallel_loop3A_179, %parallel_loop3A_180] {strides = array<i32>} : memref<128x64xf32, #tpu.memory_space<vmem>>, vector<16xf32>,
        %parallel_loop3A_182 = arith.addf %parallel_loop3A_148, %parallel_loop3A_181 : vector<16xf32>
        %parallel_loop3A_183 = arith.constant 2.000000e-01 : f32
        %parallel_loop3A_184 = vector.broadcast %parallel_loop3A_183 : f32 to vector<16xf32>
        %parallel_loop3A_185 = arith.mulf %parallel_loop3A_182, %parallel_loop3A_184 : vector<16xf32>
        %parallel_loop3A_186 = arith.maximumf %parallel_loop3A_182, %parallel_loop3A_185 : vector<16xf32>
        %parallel_loop3A_187 = arith.mulf %parallel_loop3A_186, %get3A_40 : vector<16xf32>
        %parallel_loop3A_188 = arith.addf %parallel_loop3A_178, %parallel_loop3A_187 : vector<16xf32>
        %parallel_loop3A_189 = arith.constant true
        %parallel_loop3A_190 = vector.broadcast %parallel_loop3A_189 : i1 to vector<16xi1>
        %parallel_loop3A_191 = tpu.scan <sum>, %parallel_loop3A_188 masked %parallel_loop3A_190 : vector<16xf32>, vector<16xi1> -> vector<16xf32>
        %parallel_loop3A_192 = vector.extract %parallel_loop3A_191[15] : f32 from vector<16xf32>
        %parallel_loop3A_193 = vector.broadcast %parallel_loop3A_192 : f32 to vector<16xf32>
        %parallel_loop3A_194 = math.exp %parallel_loop3A_193 : vector<16xf32>
        %parallel_loop3A_195 = arith.mulf %parallel_loop3A_139, %parallel_loop3A_194 : vector<16xf32>
        %parallel_loop3A_196 = arith.index_cast %parallel_loop3A_136 : i32 to index
        %parallel_loop3A_197 = arith.constant 0 : index
        %parallel_loop3A_198 = tpu.vector_load %arg15[%parallel_loop3A_196, %parallel_loop3A_197] {strides = array<i32>} : memref<128x80xf32, #tpu.memory_space<vmem>>, vector<16xf32>,
        tpu.vector_store %arg15[%parallel_loop3A_196, %parallel_loop3A_197], %parallel_loop3A_195 {strides = array<i32>} : memref<128x80xf32, #tpu.memory_space<vmem>>, vector<16xf32>,
        %parallel_loop3A_199 = arith.mulf %parallel_loop3A_142, %parallel_loop3A_194 : vector<16xf32>
        %parallel_loop3A_200 = arith.index_cast %parallel_loop3A_136 : i32 to index
        %parallel_loop3A_201 = arith.constant 16 : index
        %parallel_loop3A_202 = tpu.vector_load %arg15[%parallel_loop3A_200, %parallel_loop3A_201] {strides = array<i32>} : memref<128x80xf32, #tpu.memory_space<vmem>>, vector<16xf32>,
        tpu.vector_store %arg15[%parallel_loop3A_200, %parallel_loop3A_201], %parallel_loop3A_199 {strides = array<i32>} : memref<128x80xf32, #tpu.memory_space<vmem>>, vector<16xf32>,
        %parallel_loop3A_203 = arith.mulf %parallel_loop3A_145, %parallel_loop3A_194 : vector<16xf32>
        %parallel_loop3A_204 = arith.index_cast %parallel_loop3A_136 : i32 to index
        %parallel_loop3A_205 = arith.constant 32 : index
        %parallel_loop3A_206 = tpu.vector_load %arg15[%parallel_loop3A_204, %parallel_loop3A_205] {strides = array<i32>} : memref<128x80xf32, #tpu.memory_space<vmem>>, vector<16xf32>,
        tpu.vector_store %arg15[%parallel_loop3A_204, %parallel_loop3A_205], %parallel_loop3A_203 {strides = array<i32>} : memref<128x80xf32, #tpu.memory_space<vmem>>, vector<16xf32>,
        %parallel_loop3A_207 = arith.mulf %parallel_loop3A_148, %parallel_loop3A_194 : vector<16xf32>
        %parallel_loop3A_208 = arith.index_cast %parallel_loop3A_136 : i32 to index
        %parallel_loop3A_209 = arith.constant 48 : index
        %parallel_loop3A_210 = tpu.vector_load %arg15[%parallel_loop3A_208, %parallel_loop3A_209] {strides = array<i32>} : memref<128x80xf32, #tpu.memory_space<vmem>>, vector<16xf32>,
        tpu.vector_store %arg15[%parallel_loop3A_208, %parallel_loop3A_209], %parallel_loop3A_207 {strides = array<i32>} : memref<128x80xf32, #tpu.memory_space<vmem>>, vector<16xf32>,
        %parallel_loop3A_211 = arith.index_cast %parallel_loop3A_136 : i32 to index
        %parallel_loop3A_212 = arith.constant 64 : index
        %parallel_loop3A_213 = tpu.vector_load %arg15[%parallel_loop3A_211, %parallel_loop3A_212] {strides = array<i32>} : memref<128x80xf32, #tpu.memory_space<vmem>>, vector<16xf32>,
        tpu.vector_store %arg15[%parallel_loop3A_211, %parallel_loop3A_212], %parallel_loop3A_194 {strides = array<i32>} : memref<128x80xf32, #tpu.memory_space<vmem>>, vector<16xf32>,
      } {sc.loop_unroll_factor = 4 : i64, sc.parallel_access}
      %sub3A = arith.constant 1 : i32
      %sub3A_107 = arith.subi %select_n3A, %sub3A : i32
      %lt3A = arith.cmpi slt, %while3A_89, %sub3A_107 : i32
      %convert_element_type3A_108 = arith.extui %lt3A : i1 to i32
      %cond3A_109 = arith.constant 0 : i32
      %cond3A_110 = arith.cmpi ne, %convert_element_type3A_108, %cond3A_109 : i32
      scf.if %cond3A_110 {
        %add3A_136 = arith.constant 2 : i32
        %add3A_137 = arith.addi %add3A_93, %add3A_136 : i32
        %dma_start3A_138 = arith.constant 0 : i32
        %dma_start3A_139 = tpu.memref_slice %arg9[%add3A_137, %dma_start3A_138] : memref<94x128xi32, #tpu.memory_space<vmem>> -> memref<1x128xi32, #tpu.memory_space<vmem>>
        %dma_start3A_140 = tpu.memref_squeeze %dma_start3A_139 : memref<1x128xi32, #tpu.memory_space<vmem>> -> memref<128xi32, #tpu.memory_space<vmem>>
        %dma_start3A_141 = arith.constant 0 : i32
        %dma_start3A_142 = arith.constant 0 : i32
        %dma_start3A_143 = tpu.memref_slice %arg2[%dma_start3A_141, %dma_start3A_142] : memref<10240x64xf32, #tpu.memory_space<hbm>> -> memref<10240x64xf32, #tpu.memory_space<hbm>>
        tpu.enqueue_indirect_dma source(%dma_start3A_143 : memref<10240x64xf32, #tpu.memory_space<hbm>>) target(%arg11 : memref<128x64xf32, #tpu.memory_space<vmem>>) offsets(%dma_start3A_140 : memref<128xi32, #tpu.memory_space<vmem>>) semaphore(%arg17 : memref<!tpu.dma_semaphore, #tpu.memory_space<semaphore_mem>>)
        %dma_start3A_144 = arith.constant 0 : i32
        %dma_start3A_145 = tpu.memref_slice %arg10[%add3A_137, %dma_start3A_144] : memref<94x128xi32, #tpu.memory_space<vmem>> -> memref<1x128xi32, #tpu.memory_space<vmem>>
        %dma_start3A_146 = tpu.memref_squeeze %dma_start3A_145 : memref<1x128xi32, #tpu.memory_space<vmem>> -> memref<128xi32, #tpu.memory_space<vmem>>
        %dma_start3A_147 = arith.constant 0 : i32
        %dma_start3A_148 = arith.constant 0 : i32
        %dma_start3A_149 = tpu.memref_slice %arg3[%dma_start3A_147, %dma_start3A_148] : memref<10240x64xf32, #tpu.memory_space<hbm>> -> memref<10240x64xf32, #tpu.memory_space<hbm>>
        tpu.enqueue_indirect_dma source(%dma_start3A_149 : memref<10240x64xf32, #tpu.memory_space<hbm>>) target(%arg13 : memref<128x64xf32, #tpu.memory_space<vmem>>) offsets(%dma_start3A_146 : memref<128xi32, #tpu.memory_space<vmem>>) semaphore(%arg19 : memref<!tpu.dma_semaphore, #tpu.memory_space<semaphore_mem>>)
      } else {
      }
      "tpu.region"() ({
        %run_scoped3A = tpu.sem_alloc : memref<!tpu.dma_semaphore, #tpu.memory_space<semaphore_mem>>
        %dma_start3A_136 = arith.constant 0 : i32
        %dma_start3A_137 = tpu.memref_slice %arg10[%add3A_93, %dma_start3A_136] : memref<94x128xi32, #tpu.memory_space<vmem>> -> memref<1x128xi32, #tpu.memory_space<vmem>>
        %dma_start3A_138 = tpu.memref_squeeze %dma_start3A_137 : memref<1x128xi32, #tpu.memory_space<vmem>> -> memref<128xi32, #tpu.memory_space<vmem>>
        %dma_start3A_139 = arith.constant 0 : i32
        %dma_start3A_140 = arith.constant 0 : i32
        %dma_start3A_141 = tpu.memref_slice %arg16[%dma_start3A_139, %dma_start3A_140] : memref<10240x80xf32, #tpu.memory_space<vmem_shared>> -> memref<10240x80xf32, #tpu.memory_space<vmem_shared>>
        tpu.enqueue_indirect_dma source(%arg15 : memref<128x80xf32, #tpu.memory_space<vmem>>) target(%dma_start3A_141 : memref<10240x80xf32, #tpu.memory_space<vmem_shared>>) offsets(%dma_start3A_138 : memref<128xi32, #tpu.memory_space<vmem>>) semaphore(%run_scoped3A : memref<!tpu.dma_semaphore, #tpu.memory_space<semaphore_mem>>) {add = true}
        %dma_wait3A_142 = arith.constant 0 : i32
        %dma_wait3A_143 = tpu.memref_slice %arg10[%add3A_93, %dma_wait3A_142] : memref<94x128xi32, #tpu.memory_space<vmem>> -> memref<1x128xi32, #tpu.memory_space<vmem>>
        %dma_wait3A_144 = tpu.memref_squeeze %dma_wait3A_143 : memref<1x128xi32, #tpu.memory_space<vmem>> -> memref<128xi32, #tpu.memory_space<vmem>>
        %dma_wait3A_145 = arith.constant 0 : i32
        %dma_wait3A_146 = arith.constant 0 : i32
        %dma_wait3A_147 = tpu.memref_slice %arg16[%dma_wait3A_145, %dma_wait3A_146] : memref<10240x80xf32, #tpu.memory_space<vmem_shared>> -> memref<10240x80xf32, #tpu.memory_space<vmem_shared>>
        tpu.wait_indirect_dma semaphore(%run_scoped3A : memref<!tpu.dma_semaphore, #tpu.memory_space<semaphore_mem>>) src(%arg15 : memref<128x80xf32, #tpu.memory_space<vmem>>) dst(%dma_wait3A_147 : memref<10240x80xf32, #tpu.memory_space<vmem_shared>>)
        tpu.yield
      }) : () -> ()
      %mul3A_111 = arith.constant 2 : i32
      %mul3A_112 = arith.muli %mul3A_111, %while3A_89 : i32
      %add3A_113 = arith.constant 1 : i32
      %add3A_114 = arith.addi %mul3A_112, %add3A_113 : i32
      %dma_wait3A_115 = arith.constant 0 : i32
      %dma_wait3A_116 = tpu.memref_slice %arg9[%add3A_114, %dma_wait3A_115] : memref<94x128xi32, #tpu.memory_space<vmem>> -> memref<1x128xi32, #tpu.memory_space<vmem>>
      %dma_wait3A_117 = tpu.memref_squeeze %dma_wait3A_116 : memref<1x128xi32, #tpu.memory_space<vmem>> -> memref<128xi32, #tpu.memory_space<vmem>>
      %dma_wait3A_118 = arith.constant 0 : i32
      %dma_wait3A_119 = arith.constant 0 : i32
      %dma_wait3A_120 = tpu.memref_slice %arg2[%dma_wait3A_118, %dma_wait3A_119] : memref<10240x64xf32, #tpu.memory_space<hbm>> -> memref<10240x64xf32, #tpu.memory_space<hbm>>
      tpu.wait_indirect_dma semaphore(%arg18 : memref<!tpu.dma_semaphore, #tpu.memory_space<semaphore_mem>>) src(%dma_wait3A_120 : memref<10240x64xf32, #tpu.memory_space<hbm>>) dst(%arg12 : memref<128x64xf32, #tpu.memory_space<vmem>>)
      %dma_wait3A_121 = arith.constant 0 : i32
      %dma_wait3A_122 = tpu.memref_slice %arg10[%add3A_114, %dma_wait3A_121] : memref<94x128xi32, #tpu.memory_space<vmem>> -> memref<1x128xi32, #tpu.memory_space<vmem>>
      %dma_wait3A_123 = tpu.memref_squeeze %dma_wait3A_122 : memref<1x128xi32, #tpu.memory_space<vmem>> -> memref<128xi32, #tpu.memory_space<vmem>>
      %dma_wait3A_124 = arith.constant 0 : i32
      %dma_wait3A_125 = arith.constant 0 : i32
      %dma_wait3A_126 = tpu.memref_slice %arg3[%dma_wait3A_124, %dma_wait3A_125] : memref<10240x64xf32, #tpu.memory_space<hbm>> -> memref<10240x64xf32, #tpu.memory_space<hbm>>
      tpu.wait_indirect_dma semaphore(%arg20 : memref<!tpu.dma_semaphore, #tpu.memory_space<semaphore_mem>>) src(%dma_wait3A_126 : memref<10240x64xf32, #tpu.memory_space<hbm>>) dst(%arg14 : memref<128x64xf32, #tpu.memory_space<vmem>>)
      %parallel_loop3A_127 = arith.constant 0 : i32
      %parallel_loop3A_128 = arith.constant 128 : i32
      %parallel_loop3A_129 = arith.constant 1 : i32
      scf.for %parallel_loop3A_136 = %parallel_loop3A_127 to %parallel_loop3A_128 step %parallel_loop3A_129  : i32 {
        %parallel_loop3A_137 = arith.index_cast %parallel_loop3A_136 : i32 to index
        %parallel_loop3A_138 = arith.constant 0 : index
        %parallel_loop3A_139 = tpu.vector_load %arg12[%parallel_loop3A_137, %parallel_loop3A_138] {strides = array<i32>} : memref<128x64xf32, #tpu.memory_space<vmem>>, vector<16xf32>,
        %parallel_loop3A_140 = arith.index_cast %parallel_loop3A_136 : i32 to index
        %parallel_loop3A_141 = arith.constant 16 : index
        %parallel_loop3A_142 = tpu.vector_load %arg12[%parallel_loop3A_140, %parallel_loop3A_141] {strides = array<i32>} : memref<128x64xf32, #tpu.memory_space<vmem>>, vector<16xf32>,
        %parallel_loop3A_143 = arith.index_cast %parallel_loop3A_136 : i32 to index
        %parallel_loop3A_144 = arith.constant 32 : index
        %parallel_loop3A_145 = tpu.vector_load %arg12[%parallel_loop3A_143, %parallel_loop3A_144] {strides = array<i32>} : memref<128x64xf32, #tpu.memory_space<vmem>>, vector<16xf32>,
        %parallel_loop3A_146 = arith.index_cast %parallel_loop3A_136 : i32 to index
        %parallel_loop3A_147 = arith.constant 48 : index
        %parallel_loop3A_148 = tpu.vector_load %arg12[%parallel_loop3A_146, %parallel_loop3A_147] {strides = array<i32>} : memref<128x64xf32, #tpu.memory_space<vmem>>, vector<16xf32>,
        %parallel_loop3A_149 = arith.index_cast %parallel_loop3A_136 : i32 to index
        %parallel_loop3A_150 = arith.constant 0 : index
        %parallel_loop3A_151 = tpu.vector_load %arg14[%parallel_loop3A_149, %parallel_loop3A_150] {strides = array<i32>} : memref<128x64xf32, #tpu.memory_space<vmem>>, vector<16xf32>,
        %parallel_loop3A_152 = arith.addf %parallel_loop3A_139, %parallel_loop3A_151 : vector<16xf32>
        %parallel_loop3A_153 = arith.constant 2.000000e-01 : f32
        %parallel_loop3A_154 = vector.broadcast %parallel_loop3A_153 : f32 to vector<16xf32>
        %parallel_loop3A_155 = arith.mulf %parallel_loop3A_152, %parallel_loop3A_154 : vector<16xf32>
        %parallel_loop3A_156 = arith.maximumf %parallel_loop3A_152, %parallel_loop3A_155 : vector<16xf32>
        %parallel_loop3A_157 = arith.mulf %parallel_loop3A_156, %get3A_34 : vector<16xf32>
        %parallel_loop3A_158 = arith.addf %broadcast_in_dim3A_9, %parallel_loop3A_157 : vector<16xf32>
        %parallel_loop3A_159 = arith.index_cast %parallel_loop3A_136 : i32 to index
        %parallel_loop3A_160 = arith.constant 16 : index
        %parallel_loop3A_161 = tpu.vector_load %arg14[%parallel_loop3A_159, %parallel_loop3A_160] {strides = array<i32>} : memref<128x64xf32, #tpu.memory_space<vmem>>, vector<16xf32>,
        %parallel_loop3A_162 = arith.addf %parallel_loop3A_142, %parallel_loop3A_161 : vector<16xf32>
        %parallel_loop3A_163 = arith.constant 2.000000e-01 : f32
        %parallel_loop3A_164 = vector.broadcast %parallel_loop3A_163 : f32 to vector<16xf32>
        %parallel_loop3A_165 = arith.mulf %parallel_loop3A_162, %parallel_loop3A_164 : vector<16xf32>
        %parallel_loop3A_166 = arith.maximumf %parallel_loop3A_162, %parallel_loop3A_165 : vector<16xf32>
        %parallel_loop3A_167 = arith.mulf %parallel_loop3A_166, %get3A_36 : vector<16xf32>
        %parallel_loop3A_168 = arith.addf %parallel_loop3A_158, %parallel_loop3A_167 : vector<16xf32>
        %parallel_loop3A_169 = arith.index_cast %parallel_loop3A_136 : i32 to index
        %parallel_loop3A_170 = arith.constant 32 : index
        %parallel_loop3A_171 = tpu.vector_load %arg14[%parallel_loop3A_169, %parallel_loop3A_170] {strides = array<i32>} : memref<128x64xf32, #tpu.memory_space<vmem>>, vector<16xf32>,
        %parallel_loop3A_172 = arith.addf %parallel_loop3A_145, %parallel_loop3A_171 : vector<16xf32>
        %parallel_loop3A_173 = arith.constant 2.000000e-01 : f32
        %parallel_loop3A_174 = vector.broadcast %parallel_loop3A_173 : f32 to vector<16xf32>
        %parallel_loop3A_175 = arith.mulf %parallel_loop3A_172, %parallel_loop3A_174 : vector<16xf32>
        %parallel_loop3A_176 = arith.maximumf %parallel_loop3A_172, %parallel_loop3A_175 : vector<16xf32>
        %parallel_loop3A_177 = arith.mulf %parallel_loop3A_176, %get3A_38 : vector<16xf32>
        %parallel_loop3A_178 = arith.addf %parallel_loop3A_168, %parallel_loop3A_177 : vector<16xf32>
        %parallel_loop3A_179 = arith.index_cast %parallel_loop3A_136 : i32 to index
        %parallel_loop3A_180 = arith.constant 48 : index
        %parallel_loop3A_181 = tpu.vector_load %arg14[%parallel_loop3A_179, %parallel_loop3A_180] {strides = array<i32>} : memref<128x64xf32, #tpu.memory_space<vmem>>, vector<16xf32>,
        %parallel_loop3A_182 = arith.addf %parallel_loop3A_148, %parallel_loop3A_181 : vector<16xf32>
        %parallel_loop3A_183 = arith.constant 2.000000e-01 : f32
        %parallel_loop3A_184 = vector.broadcast %parallel_loop3A_183 : f32 to vector<16xf32>
        %parallel_loop3A_185 = arith.mulf %parallel_loop3A_182, %parallel_loop3A_184 : vector<16xf32>
        %parallel_loop3A_186 = arith.maximumf %parallel_loop3A_182, %parallel_loop3A_185 : vector<16xf32>
        %parallel_loop3A_187 = arith.mulf %parallel_loop3A_186, %get3A_40 : vector<16xf32>
        %parallel_loop3A_188 = arith.addf %parallel_loop3A_178, %parallel_loop3A_187 : vector<16xf32>
        %parallel_loop3A_189 = arith.constant true
        %parallel_loop3A_190 = vector.broadcast %parallel_loop3A_189 : i1 to vector<16xi1>
        %parallel_loop3A_191 = tpu.scan <sum>, %parallel_loop3A_188 masked %parallel_loop3A_190 : vector<16xf32>, vector<16xi1> -> vector<16xf32>
        %parallel_loop3A_192 = vector.extract %parallel_loop3A_191[15] : f32 from vector<16xf32>
        %parallel_loop3A_193 = vector.broadcast %parallel_loop3A_192 : f32 to vector<16xf32>
        %parallel_loop3A_194 = math.exp %parallel_loop3A_193 : vector<16xf32>
        %parallel_loop3A_195 = arith.mulf %parallel_loop3A_139, %parallel_loop3A_194 : vector<16xf32>
        %parallel_loop3A_196 = arith.index_cast %parallel_loop3A_136 : i32 to index
        %parallel_loop3A_197 = arith.constant 0 : index
        %parallel_loop3A_198 = tpu.vector_load %arg15[%parallel_loop3A_196, %parallel_loop3A_197] {strides = array<i32>} : memref<128x80xf32, #tpu.memory_space<vmem>>, vector<16xf32>,
        tpu.vector_store %arg15[%parallel_loop3A_196, %parallel_loop3A_197], %parallel_loop3A_195 {strides = array<i32>} : memref<128x80xf32, #tpu.memory_space<vmem>>, vector<16xf32>,
        %parallel_loop3A_199 = arith.mulf %parallel_loop3A_142, %parallel_loop3A_194 : vector<16xf32>
        %parallel_loop3A_200 = arith.index_cast %parallel_loop3A_136 : i32 to index
        %parallel_loop3A_201 = arith.constant 16 : index
        %parallel_loop3A_202 = tpu.vector_load %arg15[%parallel_loop3A_200, %parallel_loop3A_201] {strides = array<i32>} : memref<128x80xf32, #tpu.memory_space<vmem>>, vector<16xf32>,
        tpu.vector_store %arg15[%parallel_loop3A_200, %parallel_loop3A_201], %parallel_loop3A_199 {strides = array<i32>} : memref<128x80xf32, #tpu.memory_space<vmem>>, vector<16xf32>,
        %parallel_loop3A_203 = arith.mulf %parallel_loop3A_145, %parallel_loop3A_194 : vector<16xf32>
        %parallel_loop3A_204 = arith.index_cast %parallel_loop3A_136 : i32 to index
        %parallel_loop3A_205 = arith.constant 32 : index
        %parallel_loop3A_206 = tpu.vector_load %arg15[%parallel_loop3A_204, %parallel_loop3A_205] {strides = array<i32>} : memref<128x80xf32, #tpu.memory_space<vmem>>, vector<16xf32>,
        tpu.vector_store %arg15[%parallel_loop3A_204, %parallel_loop3A_205], %parallel_loop3A_203 {strides = array<i32>} : memref<128x80xf32, #tpu.memory_space<vmem>>, vector<16xf32>,
        %parallel_loop3A_207 = arith.mulf %parallel_loop3A_148, %parallel_loop3A_194 : vector<16xf32>
        %parallel_loop3A_208 = arith.index_cast %parallel_loop3A_136 : i32 to index
        %parallel_loop3A_209 = arith.constant 48 : index
        %parallel_loop3A_210 = tpu.vector_load %arg15[%parallel_loop3A_208, %parallel_loop3A_209] {strides = array<i32>} : memref<128x80xf32, #tpu.memory_space<vmem>>, vector<16xf32>,
        tpu.vector_store %arg15[%parallel_loop3A_208, %parallel_loop3A_209], %parallel_loop3A_207 {strides = array<i32>} : memref<128x80xf32, #tpu.memory_space<vmem>>, vector<16xf32>,
        %parallel_loop3A_211 = arith.index_cast %parallel_loop3A_136 : i32 to index
        %parallel_loop3A_212 = arith.constant 64 : index
        %parallel_loop3A_213 = tpu.vector_load %arg15[%parallel_loop3A_211, %parallel_loop3A_212] {strides = array<i32>} : memref<128x80xf32, #tpu.memory_space<vmem>>, vector<16xf32>,
        tpu.vector_store %arg15[%parallel_loop3A_211, %parallel_loop3A_212], %parallel_loop3A_194 {strides = array<i32>} : memref<128x80xf32, #tpu.memory_space<vmem>>, vector<16xf32>,
      } {sc.loop_unroll_factor = 4 : i64, sc.parallel_access}
      %sub3A_130 = arith.constant 1 : i32
      %sub3A_131 = arith.subi %select_n3A, %sub3A_130 : i32
      %lt3A_132 = arith.cmpi slt, %while3A_89, %sub3A_131 : i32
      %convert_element_type3A_133 = arith.extui %lt3A_132 : i1 to i32
      %cond3A_134 = arith.constant 0 : i32
      %cond3A_135 = arith.cmpi ne, %convert_element_type3A_133, %cond3A_134 : i32
      scf.if %cond3A_135 {
        %add3A_136 = arith.constant 2 : i32
        %add3A_137 = arith.addi %add3A_114, %add3A_136 : i32
        %dma_start3A_138 = arith.constant 0 : i32
        %dma_start3A_139 = tpu.memref_slice %arg9[%add3A_137, %dma_start3A_138] : memref<94x128xi32, #tpu.memory_space<vmem>> -> memref<1x128xi32, #tpu.memory_space<vmem>>
        %dma_start3A_140 = tpu.memref_squeeze %dma_start3A_139 : memref<1x128xi32, #tpu.memory_space<vmem>> -> memref<128xi32, #tpu.memory_space<vmem>>
        %dma_start3A_141 = arith.constant 0 : i32
        %dma_start3A_142 = arith.constant 0 : i32
        %dma_start3A_143 = tpu.memref_slice %arg2[%dma_start3A_141, %dma_start3A_142] : memref<10240x64xf32, #tpu.memory_space<hbm>> -> memref<10240x64xf32, #tpu.memory_space<hbm>>
        tpu.enqueue_indirect_dma source(%dma_start3A_143 : memref<10240x64xf32, #tpu.memory_space<hbm>>) target(%arg12 : memref<128x64xf32, #tpu.memory_space<vmem>>) offsets(%dma_start3A_140 : memref<128xi32, #tpu.memory_space<vmem>>) semaphore(%arg18 : memref<!tpu.dma_semaphore, #tpu.memory_space<semaphore_mem>>)
        %dma_start3A_144 = arith.constant 0 : i32
        %dma_start3A_145 = tpu.memref_slice %arg10[%add3A_137, %dma_start3A_144] : memref<94x128xi32, #tpu.memory_space<vmem>> -> memref<1x128xi32, #tpu.memory_space<vmem>>
        %dma_start3A_146 = tpu.memref_squeeze %dma_start3A_145 : memref<1x128xi32, #tpu.memory_space<vmem>> -> memref<128xi32, #tpu.memory_space<vmem>>
        %dma_start3A_147 = arith.constant 0 : i32
        %dma_start3A_148 = arith.constant 0 : i32
        %dma_start3A_149 = tpu.memref_slice %arg3[%dma_start3A_147, %dma_start3A_148] : memref<10240x64xf32, #tpu.memory_space<hbm>> -> memref<10240x64xf32, #tpu.memory_space<hbm>>
        tpu.enqueue_indirect_dma source(%dma_start3A_149 : memref<10240x64xf32, #tpu.memory_space<hbm>>) target(%arg14 : memref<128x64xf32, #tpu.memory_space<vmem>>) offsets(%dma_start3A_146 : memref<128xi32, #tpu.memory_space<vmem>>) semaphore(%arg20 : memref<!tpu.dma_semaphore, #tpu.memory_space<semaphore_mem>>)
      } else {
      }
      "tpu.region"() ({
        %run_scoped3A = tpu.sem_alloc : memref<!tpu.dma_semaphore, #tpu.memory_space<semaphore_mem>>
        %dma_start3A_136 = arith.constant 0 : i32
        %dma_start3A_137 = tpu.memref_slice %arg10[%add3A_114, %dma_start3A_136] : memref<94x128xi32, #tpu.memory_space<vmem>> -> memref<1x128xi32, #tpu.memory_space<vmem>>
        %dma_start3A_138 = tpu.memref_squeeze %dma_start3A_137 : memref<1x128xi32, #tpu.memory_space<vmem>> -> memref<128xi32, #tpu.memory_space<vmem>>
        %dma_start3A_139 = arith.constant 0 : i32
        %dma_start3A_140 = arith.constant 0 : i32
        %dma_start3A_141 = tpu.memref_slice %arg16[%dma_start3A_139, %dma_start3A_140] : memref<10240x80xf32, #tpu.memory_space<vmem_shared>> -> memref<10240x80xf32, #tpu.memory_space<vmem_shared>>
        tpu.enqueue_indirect_dma source(%arg15 : memref<128x80xf32, #tpu.memory_space<vmem>>) target(%dma_start3A_141 : memref<10240x80xf32, #tpu.memory_space<vmem_shared>>) offsets(%dma_start3A_138 : memref<128xi32, #tpu.memory_space<vmem>>) semaphore(%run_scoped3A : memref<!tpu.dma_semaphore, #tpu.memory_space<semaphore_mem>>) {add = true}
        %dma_wait3A_142 = arith.constant 0 : i32
        %dma_wait3A_143 = tpu.memref_slice %arg10[%add3A_114, %dma_wait3A_142] : memref<94x128xi32, #tpu.memory_space<vmem>> -> memref<1x128xi32, #tpu.memory_space<vmem>>
        %dma_wait3A_144 = tpu.memref_squeeze %dma_wait3A_143 : memref<1x128xi32, #tpu.memory_space<vmem>> -> memref<128xi32, #tpu.memory_space<vmem>>
        %dma_wait3A_145 = arith.constant 0 : i32
        %dma_wait3A_146 = arith.constant 0 : i32
        %dma_wait3A_147 = tpu.memref_slice %arg16[%dma_wait3A_145, %dma_wait3A_146] : memref<10240x80xf32, #tpu.memory_space<vmem_shared>> -> memref<10240x80xf32, #tpu.memory_space<vmem_shared>>
        tpu.wait_indirect_dma semaphore(%run_scoped3A : memref<!tpu.dma_semaphore, #tpu.memory_space<semaphore_mem>>) src(%arg15 : memref<128x80xf32, #tpu.memory_space<vmem>>) dst(%dma_wait3A_147 : memref<10240x80xf32, #tpu.memory_space<vmem_shared>>)
        tpu.yield
      }) : () -> ()
    }
    %barrier3A_84 = arith.constant 0 : index
    tpu.barrier barrier_id(%barrier3A_84)
    %mul3A_85 = arith.constant 640 : i32
    %mul3A_86 = arith.muli %arg1, %mul3A_85 : i32
    %mul3A_87 = arith.constant 640 : i32
    %mul3A_88 = arith.muli %arg1, %mul3A_87 : i32
    "tpu.region"() ({
      %run_scoped3A = tpu.sem_alloc : memref<!tpu.dma_semaphore, #tpu.memory_space<semaphore_mem>>
      %dma_start3A_89 = arith.constant 0 : i32
      %dma_start3A_90 = tpu.memref_slice %arg7[%arg0, %mul3A_88, %dma_start3A_89] : memref<2x10240x80xf32, #tpu.memory_space<hbm>> -> memref<1x640x80xf32, #tpu.memory_space<hbm>>
      %dma_start3A_91 = tpu.memref_squeeze %dma_start3A_90 : memref<1x640x80xf32, #tpu.memory_space<hbm>> -> memref<640x80xf32, #tpu.memory_space<hbm>>
      %dma_start3A_92 = arith.constant 0 : i32
      %dma_start3A_93 = tpu.memref_slice %arg16[%mul3A_86, %dma_start3A_92] : memref<10240x80xf32, #tpu.memory_space<vmem_shared>> -> memref<640x80xf32, #tpu.memory_space<vmem_shared>>
      tpu.enqueue_dma source(%dma_start3A_93 : memref<640x80xf32, #tpu.memory_space<vmem_shared>>) target(%dma_start3A_91 : memref<640x80xf32, #tpu.memory_space<hbm>>) target_semaphore(%run_scoped3A : memref<!tpu.dma_semaphore, #tpu.memory_space<semaphore_mem>>)
      %dma_wait3A = arith.constant 0 : i32
      %dma_wait3A_94 = tpu.memref_slice %arg7[%arg0, %mul3A_88, %dma_wait3A] : memref<2x10240x80xf32, #tpu.memory_space<hbm>> -> memref<1x640x80xf32, #tpu.memory_space<hbm>>
      %dma_wait3A_95 = tpu.memref_squeeze %dma_wait3A_94 : memref<1x640x80xf32, #tpu.memory_space<hbm>> -> memref<640x80xf32, #tpu.memory_space<hbm>>
      %dma_wait3A_96 = arith.constant 0 : i32
      %dma_wait3A_97 = tpu.memref_slice %arg16[%mul3A_86, %dma_wait3A_96] : memref<10240x80xf32, #tpu.memory_space<vmem_shared>> -> memref<640x80xf32, #tpu.memory_space<vmem_shared>>
      tpu.wait_dma2 semaphore(%run_scoped3A : memref<!tpu.dma_semaphore, #tpu.memory_space<semaphore_mem>>) src(%dma_wait3A_97 : memref<640x80xf32, #tpu.memory_space<vmem_shared>>) dst(%dma_wait3A_95 : memref<640x80xf32, #tpu.memory_space<hbm>>)
      tpu.yield
    }) : () -> ()
    return
  }
}

module attributes {stable_mosaic.version = 14 : i64} {
  func.func @_mm_body(%arg0: i32, %arg1: memref<256x128xf32, #tpu.memory_space<vmem>>, %arg2: memref<128x64xf32, #tpu.memory_space<vmem>>, %arg3: memref<128x64xf32, #tpu.memory_space<vmem>>, %arg4: memref<128x64xf32, #tpu.memory_space<vmem>>, %arg5: memref<8x64xf32, #tpu.memory_space<vmem>>, %arg6: memref<256x64xf32, #tpu.memory_space<vmem>>, %arg7: memref<256x64xf32, #tpu.memory_space<vmem>>, %arg8: memref<256x64xf32, #tpu.memory_space<vmem>>) attributes {dimension_semantics = [#tpu.dimension_semantics<arbitrary>], iteration_bounds = array<i64: 40>, scalar_prefetch = 0 : i64, scratch_operands = 0 : i64, tpu.core_type = #tpu.core_type<tc>, window_params = [{transform_indices = @transform_0, window_bounds = array<i64: 256, 128>}, {pipeline_mode = #tpu.pipeline_mode<synchronous>, transform_indices = @transform_1, window_bounds = array<i64: 128, 64>}, {pipeline_mode = #tpu.pipeline_mode<synchronous>, transform_indices = @transform_2, window_bounds = array<i64: 128, 64>}, {pipeline_mode = #tpu.pipeline_mode<synchronous>, transform_indices = @transform_3, window_bounds = array<i64: 128, 64>}, {pipeline_mode = #tpu.pipeline_mode<synchronous>, transform_indices = @transform_4, window_bounds = array<i64: 8, 64>}, {transform_indices = @transform_5, window_bounds = array<i64: 256, 64>}, {transform_indices = @transform_6, window_bounds = array<i64: 256, 64>}, {transform_indices = @transform_7, window_bounds = array<i64: 256, 64>}]} {
    %get3A = arith.constant 0 : index
    %get3A_0 = arith.constant 0 : index
    %get3A_1 = vector.load %arg1[%get3A, %get3A_0] : memref<256x128xf32, #tpu.memory_space<vmem>>, vector<256x128xf32>
    %get3A_2 = arith.constant 0 : index
    %get3A_3 = arith.constant 0 : index
    %get3A_4 = vector.load %arg2[%get3A_2, %get3A_3] : memref<128x64xf32, #tpu.memory_space<vmem>>, vector<128x64xf32>
    %dot_general3A = arith.constant dense<0.000000e+00> : vector<256x64xf32>
    %dot_general3A_5 = tpu.matmul %get3A_1, %get3A_4, %dot_general3A {dimension_numbers = #tpu.dot_dimension_numbers<[1], [0], [0], [1], [0, 0, 1, 1], [], []>, transpose_lhs_hint = false} : vector<256x128xf32>, vector<128x64xf32>, vector<256x64xf32> -> vector<256x64xf32>
    %swap3A = arith.constant 0 : index
    %swap3A_6 = arith.constant 0 : index
    %swap3A_7 = vector.load %arg6[%swap3A, %swap3A_6] : memref<256x64xf32, #tpu.memory_space<vmem>>, vector<256x64xf32>
    tpu.vector_store %arg6[%swap3A, %swap3A_6], %dot_general3A_5 {strides = array<i32>} : memref<256x64xf32, #tpu.memory_space<vmem>>, vector<256x64xf32>,
    %get3A_8 = arith.constant 0 : index
    %get3A_9 = arith.constant 0 : index
    %get3A_10 = vector.load %arg3[%get3A_8, %get3A_9] : memref<128x64xf32, #tpu.memory_space<vmem>>, vector<128x64xf32>
    %dot_general3A_11 = arith.constant dense<0.000000e+00> : vector<256x64xf32>
    %dot_general3A_12 = tpu.matmul %get3A_1, %get3A_10, %dot_general3A_11 {dimension_numbers = #tpu.dot_dimension_numbers<[1], [0], [0], [1], [0, 0, 1, 1], [], []>, transpose_lhs_hint = false} : vector<256x128xf32>, vector<128x64xf32>, vector<256x64xf32> -> vector<256x64xf32>
    %swap3A_13 = arith.constant 0 : index
    %swap3A_14 = arith.constant 0 : index
    %swap3A_15 = vector.load %arg7[%swap3A_13, %swap3A_14] : memref<256x64xf32, #tpu.memory_space<vmem>>, vector<256x64xf32>
    tpu.vector_store %arg7[%swap3A_13, %swap3A_14], %dot_general3A_12 {strides = array<i32>} : memref<256x64xf32, #tpu.memory_space<vmem>>, vector<256x64xf32>,
    %get3A_16 = arith.constant 0 : index
    %get3A_17 = arith.constant 0 : index
    %get3A_18 = vector.load %arg4[%get3A_16, %get3A_17] : memref<128x64xf32, #tpu.memory_space<vmem>>, vector<128x64xf32>
    %dot_general3A_19 = arith.constant dense<0.000000e+00> : vector<256x64xf32>
    %dot_general3A_20 = tpu.matmul %get3A_1, %get3A_18, %dot_general3A_19 {dimension_numbers = #tpu.dot_dimension_numbers<[1], [0], [0], [1], [0, 0, 1, 1], [], []>, transpose_lhs_hint = false} : vector<256x128xf32>, vector<128x64xf32>, vector<256x64xf32> -> vector<256x64xf32>
    %get3A_21 = arith.constant 0 : index
    %get3A_22 = arith.constant 0 : index
    %get3A_23 = vector.load %arg5[%get3A_21, %get3A_22] : memref<8x64xf32, #tpu.memory_space<vmem>>, vector<1x64xf32>
    %add3A = vector.broadcast %get3A_23 : vector<1x64xf32> to vector<256x64xf32>
    %add3A_24 = arith.addf %dot_general3A_20, %add3A : vector<256x64xf32>
    %swap3A_25 = arith.constant 0 : index
    %swap3A_26 = arith.constant 0 : index
    %swap3A_27 = vector.load %arg8[%swap3A_25, %swap3A_26] : memref<256x64xf32, #tpu.memory_space<vmem>>, vector<256x64xf32>
    tpu.vector_store %arg8[%swap3A_25, %swap3A_26], %add3A_24 {strides = array<i32>} : memref<256x64xf32, #tpu.memory_space<vmem>>, vector<256x64xf32>,
    return
  }
  func.func @transform_0(%arg0: i32) -> (i32, i32) {
    %c0_i32 = arith.constant 0 : i32
    %c0_i32_0 = arith.constant 0 : i32
    return %arg0, %c0_i32 : i32, i32
  }
  func.func @transform_1(%arg0: i32) -> (i32, i32) {
    %c0_i32 = arith.constant 0 : i32
    %c0_i32_0 = arith.constant 0 : i32
    %c0_i32_1 = arith.constant 0 : i32
    return %c0_i32, %c0_i32_0 : i32, i32
  }
  func.func @transform_2(%arg0: i32) -> (i32, i32) {
    %c0_i32 = arith.constant 0 : i32
    %c0_i32_0 = arith.constant 0 : i32
    %c0_i32_1 = arith.constant 0 : i32
    return %c0_i32, %c0_i32_0 : i32, i32
  }
  func.func @transform_3(%arg0: i32) -> (i32, i32) {
    %c0_i32 = arith.constant 0 : i32
    %c0_i32_0 = arith.constant 0 : i32
    %c0_i32_1 = arith.constant 0 : i32
    return %c0_i32, %c0_i32_0 : i32, i32
  }
  func.func @transform_4(%arg0: i32) -> (i32, i32) {
    %c0_i32 = arith.constant 0 : i32
    %c0_i32_0 = arith.constant 0 : i32
    %c0_i32_1 = arith.constant 0 : i32
    return %c0_i32, %c0_i32_0 : i32, i32
  }
  func.func @transform_5(%arg0: i32) -> (i32, i32) {
    %c0_i32 = arith.constant 0 : i32
    %c0_i32_0 = arith.constant 0 : i32
    return %arg0, %c0_i32 : i32, i32
  }
  func.func @transform_6(%arg0: i32) -> (i32, i32) {
    %c0_i32 = arith.constant 0 : i32
    %c0_i32_0 = arith.constant 0 : i32
    return %arg0, %c0_i32 : i32, i32
  }
  func.func @transform_7(%arg0: i32) -> (i32, i32) {
    %c0_i32 = arith.constant 0 : i32
    %c0_i32_0 = arith.constant 0 : i32
    return %arg0, %c0_i32 : i32, i32
  }
}

module attributes {stable_mosaic.version = 14 : i64} {
  func.func @_combine_body(%arg0: i32, %arg1: memref<1x1000x80xf32, #tpu.memory_space<vmem>>, %arg2: memref<1x1000x80xf32, #tpu.memory_space<vmem>>, %arg3: memref<1000x64xf32, #tpu.memory_space<vmem>>, %arg4: memref<1000x64xf32, #tpu.memory_space<vmem>>) attributes {dimension_semantics = [#tpu.dimension_semantics<arbitrary>], iteration_bounds = array<i64: 10>, scalar_prefetch = 0 : i64, scratch_operands = 0 : i64, tpu.core_type = #tpu.core_type<tc>, window_params = [{transform_indices = @transform_0, window_bounds = array<i64: 1, 1000, 80>}, {transform_indices = @transform_1, window_bounds = array<i64: 1, 1000, 80>}, {transform_indices = @transform_2, window_bounds = array<i64: 1000, 64>}, {transform_indices = @transform_3, window_bounds = array<i64: 1000, 64>}]} {
    %get3A = arith.constant 0 : index
    %get3A_0 = arith.constant 0 : index
    %get3A_1 = arith.constant 0 : index
    %get3A_2 = vector.load %arg1[%get3A, %get3A_0, %get3A_1] : memref<1x1000x80xf32, #tpu.memory_space<vmem>>, vector<1x1000x80xf32>
    %get3A_3 = vector.shape_cast %get3A_2 : vector<1x1000x80xf32> to vector<1000x80xf32>
    %get3A_4 = arith.constant 0 : index
    %get3A_5 = arith.constant 0 : index
    %get3A_6 = arith.constant 0 : index
    %get3A_7 = vector.load %arg2[%get3A_4, %get3A_5, %get3A_6] : memref<1x1000x80xf32, #tpu.memory_space<vmem>>, vector<1x1000x80xf32>
    %get3A_8 = vector.shape_cast %get3A_7 : vector<1x1000x80xf32> to vector<1000x80xf32>
    %slice3A = vector.extract_strided_slice %get3A_3 {offsets = [0, 0], sizes = [1000, 64], strides = [1, 1]} : vector<1000x80xf32> to vector<1000x64xf32>
    %slice3A_9 = vector.extract_strided_slice %get3A_8 {offsets = [0, 0], sizes = [1000, 64], strides = [1, 1]} : vector<1000x80xf32> to vector<1000x64xf32>
    %add3A = arith.addf %slice3A, %slice3A_9 : vector<1000x64xf32>
    %slice3A_10 = vector.extract_strided_slice %get3A_3 {offsets = [0, 64], sizes = [1000, 1], strides = [1, 1]} : vector<1000x80xf32> to vector<1000x1xf32>
    %slice3A_11 = vector.extract_strided_slice %get3A_8 {offsets = [0, 64], sizes = [1000, 1], strides = [1, 1]} : vector<1000x80xf32> to vector<1000x1xf32>
    %add3A_12 = arith.addf %slice3A_10, %slice3A_11 : vector<1000x1xf32>
    %max3A = arith.constant 1.000000e-30 : f32
    %max3A_13 = vector.broadcast %max3A : f32 to vector<1000x1xf32>
    %max3A_14 = arith.maximumf %add3A_12, %max3A_13 : vector<1000x1xf32>
    %div3A = vector.broadcast %max3A_14 : vector<1000x1xf32> to vector<1000x64xf32>
    %div3A_15 = arith.divf %add3A, %div3A : vector<1000x64xf32>
    %get3A_16 = arith.constant 0 : index
    %get3A_17 = arith.constant 0 : index
    %get3A_18 = vector.load %arg3[%get3A_16, %get3A_17] : memref<1000x64xf32, #tpu.memory_space<vmem>>, vector<1000x64xf32>
    %add3A_19 = arith.addf %div3A_15, %get3A_18 : vector<1000x64xf32>
    %max3A_20 = arith.constant 0.000000e+00 : f32
    %max3A_21 = vector.broadcast %max3A_20 : f32 to vector<1000x64xf32>
    %max3A_22 = arith.maximumf %add3A_19, %max3A_21 : vector<1000x64xf32>
    %swap3A = arith.constant 0 : index
    %swap3A_23 = arith.constant 0 : index
    %swap3A_24 = vector.load %arg4[%swap3A, %swap3A_23] : memref<1000x64xf32, #tpu.memory_space<vmem>>, vector<1000x64xf32>
    tpu.vector_store %arg4[%swap3A, %swap3A_23], %max3A_22 {strides = array<i32>} : memref<1000x64xf32, #tpu.memory_space<vmem>>, vector<1000x64xf32>,
    return
  }
  func.func @transform_0(%arg0: i32) -> (i32, i32, i32) {
    %c0_i32 = arith.constant 0 : i32
    %c0_i32_0 = arith.constant 0 : i32
    %c0_i32_1 = arith.constant 0 : i32
    return %c0_i32, %arg0, %c0_i32_0 : i32, i32, i32
  }
  func.func @transform_1(%arg0: i32) -> (i32, i32, i32) {
    %c1_i32 = arith.constant 1 : i32
    %c0_i32 = arith.constant 0 : i32
    %c0_i32_0 = arith.constant 0 : i32
    return %c1_i32, %arg0, %c0_i32 : i32, i32, i32
  }
  func.func @transform_2(%arg0: i32) -> (i32, i32) {
    %c0_i32 = arith.constant 0 : i32
    %c0_i32_0 = arith.constant 0 : i32
    return %arg0, %c0_i32 : i32, i32
  }
  func.func @transform_3(%arg0: i32) -> (i32, i32) {
    %c0_i32 = arith.constant 0 : i32
    %c0_i32_0 = arith.constant 0 : i32
    return %arg0, %c0_i32 : i32, i32
  }
}

</mosaic_0001>

<sc_bundles>
// kernel: kernel.5.cloned.1.call-start
scs
__scs_entry_jumppad:
0x0: {  	(pc) =	sbr.rel $0x88, $3  }
0x1: {  	(tag) =	ssettag $0x0;
	lr =	simm.s32 $0x1  }
0x2: {  	[smem:$0x3F99] =	sst lr;
	_ =	strace $0xD0000000  }
0x3: {  	_ = 	snop  }
0x4: {  	_ = 	snop  }
0x5: {  	_ = 	snop  }
0x6: {  	_ = 	snop  }
0x7: {  	_ = 	snop  }
__scs_overlays_trampoline_lowered:
0x8: {  	[smem:$0x3FA8] =	sst s0  }
0x9: {  	[smem:$0x3FA9] =	sst s1  }
0xa: {  	[smem:$0x3FAA] =	sst s2  }
0xb: {  	[smem:$0x3FAB] =	sst s3  }
0xc: {  	[smem:$0x3FAC] =	sst s4  }
0xd: {  	[smem:$0x3FAD] =	sst s5  }
0xe: {  	[smem:$0x3FAE] =	sst s6  }
0xf: {  	[smem:$0x3FAF] =	sst s7  }
0x10: {  	[smem:$0x3FB0] =	sst s8  }
0x11: {  	[smem:$0x3FB1] =	sst s9;
	s0 =	simm.s32 @!p0 $0x0  }
0x12: {  	s1 =	sld [smem:$0x3F97];
	s0 =	simm.s32 @p0 $0x1  }
0x13: {  	[smem:$0x3FB2] =	sst s0;
	s0 =	simm.s32 @!p1 $0x0  }
0x14: {  	s2 =	sld [smem:$0x3F96];
	s0 =	simm.s32 @p1 $0x1  }
0x15: {  	[smem:$0x3FB3] =	sst s0;
	s0 =	simm.s32 @!p2 $0x0  }
0x16: {  	s3 =	sld [smem:$0x3FDB];
	s0 =	simm.s32 @p2 $0x1  }
0x17: {  	s4 =	simm.s32 $0x1BF5;
	[smem:$0x3FB5] =	sst s0  }
0x18: {  	s0 =	sld [smem:$0x3F98];
	_ =	swait.ge [sflag:s4], $0x0  }
0x19: {  	s7 =	sld [smem:$0x3F99]  }
0x1a: {  	s8 =	sadd.s32 $0xFFFFE003, lr  }
0x1b: {  	s9 =	sadd.s32 $0xFFFFFEF7, lr;
	s5 =	simm.s32 $0xFFFFFFFF;
	p2 =	slt.u32 s8, $0xFFFFF086  }
0x1c: {  	p1 =	slt.u32 s9, $0xF7A;
	s5 =	simm.s32 @!p2 $0x0  }
0x1d: {  	s5 =	simm.s32 @p1 $0x1;
	p0 =	seq.s32 s7, s2  }
0x1e: {  	s7 =	smul.u32 @!p0 $0xF7A, s2;
	p2 =	seq.s32 @!p0 s5, $0x0  }
0x1f: {  	s9 =	smul.u32 $0xF7A, s1;
	s8 =	simm.s32 @!p0 $0x1BF5;
	p2 =	por !p2, p0  }
0x20: {  	[sflag:s8] =	ssyncset.s32 @!p0 $0xFFFFF086;
	s6 =	sadd.s32 @!p0 s3, s7;
	s7 =	simm.s32 @!p0 $0x108  }
0x21: {  	s3 =	sadd.s32 s3, s9;
	s6 =	sadd.s32 @!p0 $0x88, s6;
	s7 =	simm.s32 @p2 $0x1082  }
0x22: {  	[simem:s7], [sflag:s8] =	dma.local @!p0 [hbm:s6], $0xF7A  }
0x23: {  	s9 =	sor.u32 $0xD0000000, s2;
	s6 =	simm.s32 $0x108;
	_ =	swait.ge @!p0 [sflag:s8], $0x0  }
0x24: {  	s3 =	sadd.s32 $0x88, s3;
	s6 =	simm.s32 @!p1 $0x1082;
	[sflag:s4] =	ssyncset.s32 $0xFFFFF086  }
0x25: {  	[simem:s6], [sflag:s4] =	dma.local [hbm:s3], $0xF7A  }
0x26: {  	[smem:$0x3F99] =	sst s1;
	(tag) =	ssettag s2;
	_ =	strace s9  }
0x27: {  	s1 =	sld [smem:$0x3FA9]  }
0x28: {  	s2 =	sld [smem:$0x3FAA]  }
0x29: {  	s4 =	sld [smem:$0x3FAC]  }
0x2a: {  	p0 =	seq.s32 s5, $0x0;
	s5 =	sld [smem:$0x3FAD]  }
0x2b: {  	s6 =	sld [smem:$0x3FAE]  }
0x2c: {  	s7 =	sld [smem:$0x3FAF]  }
0x2d: {  	s3 =	simm.s32 $0x108;
	s8 =	sld [smem:$0x3FB0]  }
0x2e: {  	s3 =	simm.s32 @!p0 $0x1082;
	s9 =	sld [smem:$0x3FB1]  }
0x2f: {  	lr =	sadd.s32 s0, s3;
	s0 =	sld [smem:$0x3FA8]  }
0x30: {  	s3 =	sld [smem:$0x3FAB]  }
0x31: {  	[smem:$0x3FB4] =	sst s10  }
0x32: {  	s10 =	sld [smem:$0x3FB2];
	_ =	sdelay $0x3  }
0x33: {  	p0 =	seq.s32 s10, $0x1;
	s10 =	sld [smem:$0x3FB4];
	_ =	sdelay $0x3  }
0x34: {  	[smem:$0x3FB4] =	sst s10  }
0x35: {  	s10 =	sld [smem:$0x3FB3];
	_ =	sdelay $0x3  }
0x36: {  	p1 =	seq.s32 s10, $0x1;
	s10 =	sld [smem:$0x3FB4];
	_ =	sdelay $0x3  }
0x37: {  	[smem:$0x3FB4] =	sst s10  }
0x38: {  	s10 =	sld [smem:$0x3FB5]  }
0x39: {  	_ = 	snop;
	(pc) =	sbr.ind lr, $3  }
0x3a: {  	_ = 	snop  }
0x3b: {  	_ = 	snop  }
0x3c: {  	p2 =	seq.s32 s10, $0x1;
	s10 =	sld [smem:$0x3FB4]  }
0x3d: {  	_ =	shalt  }
0x3e: {  	_ =	shalt  }
0x3f: {  	_ =	shalt  }
0x40: {  	_ =	shalt  }
0x41: {  	_ =	shalt  }
0x42: {  	_ =	shalt  }
0x43: {  	_ =	shalt  }
0x44: {  	_ =	shalt  }
0x45: {  	_ =	shalt  }
0x46: {  	_ =	shalt  }
0x47: {  	_ =	shalt  }
0x48: {  	_ =	shalt  }
0x49: {  	_ =	shalt  }
0x4a: {  	_ =	shalt  }
0x4b: {  	_ =	shalt  }
0x4c: {  	_ =	shalt  }
0x4d: {  	_ =	shalt  }
0x4e: {  	_ =	shalt  }
0x4f: {  	_ =	shalt  }
0x50: {  	_ =	shalt  }
0x51: {  	_ =	shalt  }
0x52: {  	_ =	shalt  }
0x53: {  	_ =	shalt  }
0x54: {  	_ =	shalt  }
0x55: {  	_ =	shalt  }
0x56: {  	_ =	shalt  }
0x57: {  	_ =	shalt  }
0x58: {  	_ =	shalt  }
0x59: {  	_ =	shalt  }
0x5a: {  	_ =	shalt  }
0x5b: {  	_ =	shalt  }
0x5c: {  	_ =	shalt  }
0x5d: {  	_ =	shalt  }
0x5e: {  	_ =	shalt  }
0x5f: {  	_ =	shalt  }
0x60: {  	_ =	shalt  }
0x61: {  	_ =	shalt  }
0x62: {  	_ =	shalt  }
0x63: {  	_ =	shalt  }
0x64: {  	_ =	shalt  }
0x65: {  	_ =	shalt  }
0x66: {  	_ =	shalt  }
0x67: {  	_ =	shalt  }
0x68: {  	_ =	shalt  }
0x69: {  	_ =	shalt  }
0x6a: {  	_ =	shalt  }
0x6b: {  	_ =	shalt  }
0x6c: {  	_ =	shalt  }
0x6d: {  	_ =	shalt  }
0x6e: {  	_ =	shalt  }
0x6f: {  	_ =	shalt  }
0x70: {  	_ =	shalt  }
0x71: {  	_ =	shalt  }
0x72: {  	_ =	shalt  }
0x73: {  	_ =	shalt  }
0x74: {  	_ =	shalt  }
0x75: {  	_ =	shalt  }
0x76: {  	_ =	shalt  }
0x77: {  	_ =	shalt  }
0x78: {  	_ =	shalt  }
0x79: {  	_ =	shalt  }
0x7a: {  	_ =	shalt  }
0x7b: {  	_ =	shalt  }
0x7c: {  	_ =	shalt  }
0x7d: {  	_ =	shalt  }
0x7e: {  	_ =	shalt  }
0x7f: {  	_ =	shalt  }
0x80: {  	_ =	shalt  }
0x81: {  	_ =	shalt  }
0x82: {  	_ =	shalt  }
0x83: {  	_ =	shalt  }
0x84: {  	_ =	shalt  }
0x85: {  	_ =	shalt  }
0x86: {  	_ =	shalt  }
0x87: {  	_ =	shalt  }
.Lfunc_end0:
.L_simem_size_0:
called_computation_lowered:
.L_overlay_start_0:
0x88: {  	s2 =	sld [smem:$0x3FD9]  }
0x89: {  	s3 =	sld [smem:$0x3FFE];
	_ =	sdelay $0x1  }
0x8a: {  	s1 =	srdreg.scid  }
0x8b: {  	s0 =	sand.u32 $0x1, s1  }
0x8c: {  	s17 =	sshll.u32 s0, $0xA;
	s2 =	sadd.s32 s3, s2  }
0x8d: {  	s2 =	sadd.s32 s2, s17  }
0x8e: {  	[smem:$0x3FC0] =	sst s2  }
0x8f: {  	_ = 	snop  }
0x90: {  	s2 =	sld [smem:$0x3FC5]  }
0x91: {  	s18 =	sld [smem:$0x3FD0];
	(tm) =	ssettm $0x1  }
0x92: {  	s4 =	sld [smem:$0x3FFB];
	_ =	sdelay $0x3  }
0x93: {  	_ =	strace s4  }
0x94: {  	s4 =	sld [smem:$0x3FFC];
	_ =	sdelay $0x3  }
0x95: {  	_ =	strace s4  }
0x96: {  	s4 =	sld [smem:$0x3FFD];
	_ =	sdelay $0x3  }
0x97: {  	_ =	strace s4  }
0x98: {  	_ =	strace $0x8FFFFFFF  }
0x99: {  	s19 =	sld [smem:$0x3FDB];
	_ =	sdelay $0x1  }
0x9a: {  	s5 =	simm.s32 $_scs_section_size  }
0x9b: {  	s6 =	simm.s32 $_size__tile_overlayer_lowered;
	s7 =	simm.s32 $_tile_overlayer_lowered  }
0x9c: {  	s22 =	simm.s32 $0x1BFF;
	s21 =	sshll.u32 s7, $0x1;
	s4 =	sadd.s32 s5, s19  }
0x9d: {  	s8 =	simm.s32 $0x0;
	s20 =	sshll.u32 s6, $0x1;
	s6 =	sadd.s32 s21, s4  }
0x9e: {  	[timem:s8], [sflag:s22] =	dma.local [hbm:s6], s20  }
0x9f: {  	_ =	swait.ge [sflag:s22], s20  }
0xa0: {  	s5 =	ssub.s32 $0x0, s20;
	[sflag:s22] =	ssyncset.done $0x0  }
0xa1: {  	[sflag:s22] =	ssyncadd.s32 s5;
	_ =	sdelay $0x1  }
0xa2: {  	s23 =	simm.s32 $0x1B8B  }
0xa3: {  	_ =	swait.ge [sflag:s23], $0x1  }
0xa4: {  	[sflag:s23] =	ssyncset.done $0x0  }
0xa5: {  	s25 =	simm.s32 $0x1B8E;
	s24 =	sld [smem:$0x3FFE];
	[sflag:s23] =	ssyncadd.s32 $0xFFFFFFFF  }
0xa6: {  	s26 =	simm.s32 $execute0_lowered;
	[smem:$0x3FD2] =	sst s25  }
0xa7: {  	s6 =	sshll.u32 s26, $0x1;
	_ =	strace $0x80000046;
	[dreg:$0x1] =	wrdreg $0xFFFFFFFF  }
0xa8: {  	s28 =	simm.s32 $_size_execute0_lowered;
	s4 =	sadd.s32 s4, s6;
	[dreg:$0x0] =	wrdreg $0x0  }
0xa9: {  	s6 =	sshll.u32 s28, $0x1;
	[dreg:$0x2] =	wrdreg s4  }
0xaa: {  	[dreg:$0x3] =	wrdreg s6  }
0xab: {  	[dreg:$0x4] =	wrdreg $0xC0  }
0xac: {  	_ =	task [dreg:s8], $0x5FFFF  }
0xad: {  	[dreg:$0x1] =	wrdreg $0xFFFFFFFF  }
0xae: {  	[dreg:$0x0] =	wrdreg $0x60  }
0xaf: {  	[dreg:$0x2] =	wrdreg s24  }
0xb0: {  	[dreg:$0x3] =	wrdreg s18  }
0xb1: {  	[dreg:$0x4] =	wrdreg s2  }
0xb2: {  	[dreg:$0x5] =	wrdreg $0x106400  }
0xb3: {  	[dreg:$0x6] =	wrdreg $0x9  }
0xb4: {  	_ =	task.clear_ibuf [dreg:s8], $0x7FFFF;
	_ =	strace $0x90000046  }
0xb5: {  	s29 =	simm.s32 $0x9;
	_ =	strace $0x80000048  }
0xb6: {  	_ =	swait.ge [sflag:s29], $0x1  }
0xb7: {  	[sflag:s29] =	ssyncadd.s32 $0xFFFFFFFF  }
0xb8: {  	_ =	strace $0x90000048  }
0xb9: {  	_ =	sfence  }
0xba: {  	s30 =	sld [smem:$0x0];
	_ =	sdelay $0x2  }
0xbb: {  	s31 =	sshll.u32 s1, $0xD;
	s1 =	sshrl.u32 s1, $0x2  }
0xbc: {  	s3 =	sand.u32 $0x4000, s31;
	s1 =	sadd.s32 s1, s30  }
0xbd: {  	s0 =	sor.u32 s3, s0;
	s1 =	sshll.u32 s1, $0x11  }
0xbe: {  	s0 =	sor.u32 s1, s0  }
0xbf: {  	s0 =	sadd.s32 $0x8F2B, s0  }
0xc0: {  	[sflag:s0] =	ssyncadd.remote.s32 $0x1  }
0xc1: {  	_ =	sfence.sel $0xFFFF  }
0xc2: {  	[dreg:$0x0] =	wrdreg $0xFFFFFFFF;
	(pc) =	sbr.abs _section_cstart, $3  }
0xc3: {  	[dreg:$0x1] =	wrdreg $0xFFFFFFFF  }
0xc4: {  	_ =	task.clear_ibuf [dreg:s8], $0x2FFFF;
	_ =	strace $0x9FFFFFFF  }
0xc5: {  	(tm) =	ssettm $0x7FFFFFFF  }
tec
execute0_lowered:
.L_overlay_start_1:
0x0: {  	(tag) =	ssettag $0x1  }
0x1: {  	s0 =	rddreg [dreg:$0x0]  }
0x2: {  	s1 =	rddreg [dreg:$0x1];
	s2 =	srdreg.scid  }
0x3: {  	s12 =	stileid.u32;
	s3 =	rddreg [dreg:$0x3];
	s5 =	simm.s32 $0x0  }
0x4: {  	s20 =	simm.s32 $0xDE40;
	s21 =	simm.s32 $0x5;
	s4 =	smul.u32 $0xC800, s12  }
0x5: {  	s22 =	simm.s32 $0x80;
	s23 =	simm.s32 $0x2;
	s10 =	smul.u32 $0x32000, s12  }
0x6: {  	s24 =	simm.s32 $0x4;
	s25 =	simm.s32 $0x0;
	s13 =	smul.u32 $0x440, s12  }
0x7: {  	s2 =	sand.u32 $0x1, s2;
	[smem:$0x7FF] =	sst s5;
	s16 =	smul.u32 $0x5E0, s12  }
0x8: {  	s5 =	sadd.s32 $0x14400, s0;
	s9 =	sadd.s32 $0x28400, s0;
	s6 =	smul.u32 $0xC8000, s2  }
0x9: {  	_ =	strace $0x80000047;
	s8 =	ssub.s32 $0x2, s2;
	p0 =	seq.s32 s2, $0x0  }
0xa: {  	s11 =	sshrl.u32 s8, $0x1;
	s10 =	sshrl.u32 s10, $0x2;
	s31 =	sadd.s32 $0x5E00, s13  }
0xb: {  	s15 =	sadd.s32 s1, s16;
	s16 =	sadd.s32 s9, s16;
	s7 =	sadd.s32 s4, s6  }
0xc: {  	s6 =	sadd.s32 $0x400, s0;
	s19 =	ssub.s32 s8, s11;
	s8 =	sadd.s32 s4, s3  }
0xd: {  	s30 =	sadd.s32 s10, s3;
	s13 =	sadd.s32 s1, s31;
	s14 =	sadd.s32 s9, s31  }
0xe: {  	s1 =	simm.s32 $0x1;
	s7 =	sshrl.u32 s7, $0x3;
	s10 =	sadd.s32 $0x2800, s30  }
0xf: {  	s11 =	sadd.s32 $0x7800, s30;
	s12 =	sadd.s32 $0xA000, s30;
	s19 =	smax.u32 s19, $0x1  }
0x10: {  	s0 =	sadd.s32 s7, s0;
	s7 =	simm.s32 $0x2F;
	[dreg:$0x5] =	wrdreg s10  }
0x11: {  	s10 =	sadd.s32 $0x5000, s30;
	s7 =	simm.s32 @!p0 $0x22;
	s18 =	sadd.s32 $0x32600, s0  }
0x12: {  	v0 =	vimm.f32 $0.0e+00;
	p0 =	sne.s32 s2, $0x0;
	s2 =	simm.s32 $0x3;
	s17 =	sadd.s32 $0xFFFFFFFF, s7  }
.LBB2_1:
0x13: {  	s4 =	simm.s32 $0x140;
	s0 =	simm.s32 $0x0  }
.LBB2_2:
0x14: {  	p1 =	sne.s32 s4, $0x9EC0;
	[tilespmem:s0+$0xDE80] =	vst v0;
	s9 =	smov.u32 s4;
	s4 =	sadd.s32 $0x140, s4  }
.Ltmp0:
0x15: {  	[tilespmem:s0+$0xDE70] =	vst v0;
	(pc) =	sbr.rel @p1 .LBB2_2-.Ltmp0, $4  }
0x16: {  	[tilespmem:s0+$0xDE60] =	vst v0  }
0x17: {  	[tilespmem:s0+$0xDE40] =	vst v0  }
0x18: {  	[tilespmem:s0+$0xDE50] =	vst v0  }
0x19: {  	s0 =	sshra.s32 s9, $0x2  }
0x1a: {  	[tilespmem:s0+$0xDE80] =	vst v0  }
0x1b: {  	[tilespmem:s0+$0xDE70] =	vst v0  }
0x1c: {  	[tilespmem:s0+$0xDE60] =	vst v0  }
0x1d: {  	[tilespmem:s0+$0xDE40] =	vst v0  }
0x1e: {  	[tilespmem:s0+$0xDE50] =	vst v0  }
0x1f: {  	[spmem:s8] =	stream.linear.scatter [tilespmem:s20], [sflag:$0x5], $0x2800, $0x38;
	[tilespmem:$0x1CE40] =	vst v63  }
0x20: {  	_ =	swait.ge [sflag:s21], $0x2800  }
0x21: {  	[sflag:s21] =	ssyncset.done $0x0  }
0x22: {  	s28 =	rddreg [dreg:$0x5];
	[sflag:s21] =	ssyncadd.s32 $0xFFFFD800  }
0x23: {  	[spmem:s28] =	stream.linear.scatter [tilespmem:s20], [sflag:$0x5], $0x2800, $0x38;
	[tilespmem:$0x1CE40] =	vst v63  }
0x24: {  	_ =	swait.ge [sflag:s21], $0x2800  }
0x25: {  	[sflag:s21] =	ssyncset.done $0x0  }
0x26: {  	[sflag:s21] =	ssyncadd.s32 $0xFFFFD800  }
0x27: {  	[spmem:s10] =	stream.linear.scatter [tilespmem:s20], [sflag:$0x5], $0x2800, $0x38;
	[tilespmem:$0x1CE40] =	vst v63  }
0x28: {  	_ =	swait.ge [sflag:s21], $0x2800  }
0x29: {  	[sflag:s21] =	ssyncset.done $0x0  }
0x2a: {  	[sflag:s21] =	ssyncadd.s32 $0xFFFFD800  }
0x2b: {  	[spmem:s11] =	stream.linear.scatter [tilespmem:s20], [sflag:$0x5], $0x2800, $0x38;
	[tilespmem:$0x1CE40] =	vst v63  }
0x2c: {  	_ =	swait.ge [sflag:s21], $0x2800  }
0x2d: {  	[sflag:s21] =	ssyncset.done $0x0  }
0x2e: {  	[sflag:s21] =	ssyncadd.s32 $0xFFFFD800  }
0x2f: {  	[spmem:s12] =	stream.linear.scatter [tilespmem:s20], [sflag:$0x5], $0x2800, $0x38;
	[tilespmem:$0x1CE40] =	vst v63  }
0x30: {  	_ =	swait.ge [sflag:s21], $0x2800  }
0x31: {  	[sflag:s21] =	ssyncset.done $0x0  }
0x32: {  	[sflag:s21] =	ssyncadd.s32 $0xFFFFD800  }
0x33: {  	[bflag:$0x0] =	sbarrier.arrive $0xFFFF  }
0x34: {  	s4 =	simm.s32 $0x0;
	s29 =	rddreg [dreg:$0x2]  }
0x35: {  	[tilespmem:s4], [sflag:$0x5] =	stream.linear.gather [hbm4b:s29+s4], $0x40, $0x38;
	[tilespmem:$0x1CE40] =	vst v63  }
0x36: {  	_ =	swait.ge [sflag:s21], $0x40  }
0x37: {  	[sflag:s21] =	ssyncset.done $0x0  }
0x38: {  	[sflag:s21] =	ssyncadd.s32 $0xFFFFFFC0  }
0x39: {  	v1 =	vld [tilespmem:$0x0]  }
0x3a: {  	v2 =	vld [tilespmem:$0x10]  }
0x3b: {  	s0 =	simm.s32 @p0 $0x0;
	s4 =	simm.s32 @p0 $0x40;
	v3 =	vld [tilespmem:$0x20]  }
0x3c: {  	v4 =	vld [tilespmem:$0x30];
	[tilespmem:s4], [sflag:$0x5] =	stream.linear.gather @p0 [hbm4b:s13+s0], $0x2200, $0x38  }
0x3d: {  	s4 =	simm.s32 @p0 $0x5  }
0x3e: {  	_ =	swait.ge @p0 [sflag:s4], $0x2200  }
0x3f: {  	[sflag:s4] =	ssyncset.done @p0 $0x0  }
0x40: {  	s9 =	simm.s32 @p0 $0x2F40;
	[sflag:s4] =	ssyncadd.s32 @p0 $0xFFFFDE00  }
0x41: {  	[tilespmem:s9], [sflag:$0x5] =	stream.linear.gather @p0 [hbm4b:s14+s0], $0x2200, $0x38;
	[tilespmem:$0x1CE40] =	vst v63  }
0x42: {  	_ =	swait.ge @p0 [sflag:s4], $0x2200  }
0x43: {  	[sflag:s4] =	ssyncset.done @p0 $0x0  }
0x44: {  	s0 =	simm.s32 @!p0 $0x0;
	[sflag:s4] =	ssyncadd.s32 @p0 $0xFFFFDE00;
	s4 =	simm.s32 @!p0 $0x40  }
0x45: {  	[tilespmem:s4], [sflag:$0x5] =	stream.linear.gather @!p0 [hbm4b:s15+s0], $0x2F00, $0x38;
	[tilespmem:$0x1CE40] =	vst v63  }
0x46: {  	s4 =	simm.s32 @!p0 $0x5  }
0x47: {  	_ =	swait.ge @!p0 [sflag:s4], $0x2F00  }
0x48: {  	[sflag:s4] =	ssyncset.done @!p0 $0x0  }
0x49: {  	s9 =	simm.s32 @!p0 $0x2F40;
	[sflag:s4] =	ssyncadd.s32 @!p0 $0xFFFFD100  }
0x4a: {  	[tilespmem:s9], [sflag:$0x5] =	stream.linear.gather @!p0 [hbm4b:s16+s0], $0x2F00, $0x38;
	[tilespmem:$0x1CE40] =	vst v63  }
0x4b: {  	_ =	swait.ge @!p0 [sflag:s4], $0x2F00  }
0x4c: {  	[sflag:s4] =	ssyncset.done @!p0 $0x0  }
0x4d: {  	s30 =	simm.s32 $0x40;
	s31 =	simm.s32 $0x5E40;
	[sflag:s4] =	ssyncadd.s32 @!p0 $0xFFFFD100  }
0x4e: {  	[tilespmem:s31], [sflag:$0x1] =	stream.indirect.gather [hbm4b:s5+s22], $0x40, s30, s22, $0xb8;
	[tilespmem:$0x1CE40] =	vst v63  }
0x4f: {  	s26 =	simm.s32 $0x9E40;
	s9 =	simm.s32 $0x2F40  }
0x50: {  	[tilespmem:s26], [sflag:$0x3] =	stream.indirect.gather [hbm4b:s6+s22], $0x40, s9, s22, $0xb8;
	[tilespmem:$0x1CE40] =	vst v63  }
0x51: {  	s28 =	simm.s32 $0xC0;
	s29 =	simm.s32 $0x7E40  }
0x52: {  	[tilespmem:s29], [sflag:$0x2] =	stream.indirect.gather [hbm4b:s5+s22], $0x40, s28, s22, $0xb8;
	[tilespmem:$0x1CE40] =	vst v63  }
0x53: {  	s30 =	simm.s32 $0x2FC0;
	s31 =	simm.s32 $0xBE40;
	s26 =	simm.s32 $0x0  }
0x54: {  	[tilespmem:s31], [sflag:$0x4] =	stream.indirect.gather [hbm4b:s6+s22], $0x40, s30, s22, $0xb8;
	[tilespmem:$0x1CE40] =	vst v63  }
.LBB2_4:
0x55: {  	_ =	swait.ge [sflag:s1], $0x2000  }
0x56: {  	[sflag:s1] =	ssyncset.done $0x0  }
0x57: {  	[sflag:s1] =	ssyncadd.s32 $0xFFFFE000  }
0x58: {  	_ =	swait.ge [sflag:s2], $0x2000  }
0x59: {  	[sflag:s2] =	ssyncset.done $0x0  }
0x5a: {  	s4 =	simm.s32 $0x5EC0;
	[sflag:s2] =	ssyncadd.s32 $0xFFFFE000  }
0x5b: {  	s0 =	simm.s32 $0x9EC0;
	v17 =	vld [tilespmem:s4+$0x40]  }
0x5c: {  	v5 =	vld [tilespmem:s0+$0x40]  }
0x5d: {  	v16 =	vld [tilespmem:s4+$0x50]  }
0x5e: {  	v6 =	vld [tilespmem:s0+$0x50]  }
0x5f: {  	v7 =	vld [tilespmem:s4+$0x60]  }
0x60: {  	v8 =	vld [tilespmem:s0+$0x60]  }
0x61: {  	v15 =	vld [tilespmem:s4+$0x70]  }
0x62: {  	v9 =	vld [tilespmem:s0+$0x70]  }
0x63: {  	v10 =	vld [tilespmem:s0+$0xFFFFFF80]  }
0x64: {  	v13 =	vld [tilespmem:s0+$0xFFFFFFC0]  }
0x65: {  	v19 =	vld [tilespmem:s0+$0x0]  }
0x66: {  	v21 =	vld [tilespmem:s4+$0xFFFFFF80];
	v5 =	vadd.f32 v5, v17  }
0x67: {  	v23 =	vld [tilespmem:s4+$0xFFFFFF90]  }
0x68: {  	v20 =	vld [tilespmem:s0+$0xFFFFFF90];
	v12 =	vadd.f32 v6, v16;
	v11 =	vmul.f32 $2.000000030e-01, v5  }
0x69: {  	v18 =	vld [tilespmem:s4+$0xFFFFFFD0]  }
0x6a: {  	v32 =	vld [tilespmem:s4+$0xFFFFFFA0];
	v8 =	vadd.f32 v8, v7;
	v14 =	vmul.f32 $2.000000030e-01, v12;
	v11 =	vmax.f32 v5, v11  }
0x6b: {  	v22 =	vld [tilespmem:s0+$0xFFFFFFA0];
	v11 =	vmul.f32 v11, v1  }
0x6c: {  	v30 =	vld [tilespmem:s4+$0xFFFFFFE0];
	v9 =	vadd.f32 v9, v15;
	v12 =	vmax.f32 v12, v14;
	v14 =	vmul.f32 $2.000000030e-01, v8  }
0x6d: {  	v6 =	vld [tilespmem:s4+$0xFFFFFFC0];
	v12 =	vmul.f32 v12, v2;
	v11 =	vadd.f32 $0.0e+00, v11  }
0x6e: {  	v5 =	vld [tilespmem:s4+$0x0];
	v8 =	vmax.f32 v8, v14;
	v14 =	vmul.f32 $2.000000030e-01, v9  }
0x6f: {  	v25 =	vld [tilespmem:s0+$0xFFFFFFE0];
	v8 =	vmul.f32 v8, v3;
	v11 =	vadd.f32 v12, v11  }
0x70: {  	v33 =	vld [tilespmem:s4+$0xFFFFFFF0];
	v9 =	vmax.f32 v9, v14  }
0x71: {  	v27 =	vld [tilespmem:s0+$0xFFFFFFF0];
	v9 =	vmul.f32 v9, v4;
	v8 =	vadd.f32 v8, v11  }
0x72: {  	v10 =	vadd.f32 v10, v21;
	v13 =	vadd.f32 v13, v6;
	v14 =	vld [tilespmem:s0+$0x10]  }
0x73: {  	v12 =	vld [tilespmem:s0+$0xFFFFFFD0];
	v8 =	vadd.f32 v9, v8;
	v9 =	vadd.f32 v19, v5  }
0x74: {  	v24 =	vmul.f32 $2.000000030e-01, v10;
	v11 =	vld [tilespmem:s4+$0x10]  }
0x75: {  	v34 =	vld [tilespmem:s4+$0xFFFFFFB0];
	v20 =	vadd.f32 v20, v23;
	v19 =	vmul.f32 $2.000000030e-01, v13;
	(xrf2) =	vadd.scan.msk.f32 $0xffff, v8;
	v8 =	vmul.f32 $2.000000030e-01, v9  }
0x76: {  	v28 =	vld [tilespmem:s0+$0x20];
	v25 =	vadd.f32 v25, v30;
	v27 =	vadd.f32 v27, v33  }
0x77: {  	v13 =	vmax.f32 v13, v19;
	v8 =	vmax.f32 v9, v8;
	v9 =	vmax.f32 v10, v24;
	v24 =	vld [tilespmem:s0+$0xFFFFFFB0]  }
0x78: {  	v12 =	vadd.f32 v12, v18;
	v19 =	vld [tilespmem:s4+$0x20];
	v13 =	vmul.f32 v13, v1;
	v10 =	vmul.f32 $2.000000030e-01, v20  }
0x79: {  	v14 =	vadd.f32 v14, v11;
	v9 =	vmul.f32 v9, v1;
	v26 =	vmul.f32 v8, v1  }
0x7a: {  	v8 =	vmax.f32 v20, v10;
	v10 =	vmul.f32 $2.000000030e-01, v12;
	v20 =	vadd.f32 v22, v32  }
0x7b: {  	v31 =	vld [tilespmem:s0+$0x30];
	v13 =	vadd.f32 $0.0e+00, v13;
	v9 =	vadd.f32 $0.0e+00, v9;
	v8 =	vmul.f32 v8, v2  }
0x7c: {  	v22 =	vld [tilespmem:s4+$0x30];
	v10 =	vmax.f32 v12, v10;
	v12 =	vmul.f32 $2.000000030e-01, v20;
	v24 =	vadd.f32 v24, v34  }
0x7d: {  	v29 =	vmul.f32 $2.000000030e-01, v14;
	v28 =	vadd.f32 v28, v19;
	v9 =	vadd.f32 v8, v9  }
0x7e: {  	v8 =	vmul.f32 v10, v2;
	v10 =	vmax.f32 v20, v12;
	v35 =	vmul.f32 $2.000000030e-01, v24  }
0x7f: {  	s4 =	simm.s32 $0x9FC0;
	v14 =	vmax.f32 v14, v29;
	v12 =	vmul.f32 $2.000000030e-01, v25;
	v10 =	vmul.f32 v10, v3;
	v20, _, _ =	vpop (xrf2)  }
0x80: {  	s31 =	simm.s32 $0x5FC0;
	v56 =	vld [tilespmem:s4+$0x40];
	v13 =	vadd.f32 v8, v13;
	v20 =	vmul.f32 $1.442695020e+00, v20;
	v24 =	vmax.f32 v24, v35  }
0x81: {  	v8 =	vld [tilespmem:s31+$0x40];
	v29 =	vadd.f32 v31, v22;
	v10 =	vadd.f32 v10, v9;
	v24 =	vmul.f32 v24, v4  }
0x82: {  	v31 =	vld [tilespmem:s4+$0x60];
	v12 =	vmax.f32 v25, v12;
	v25 =	vmul.f32 $2.000000030e-01, v27;
	v20 =	vbroadcast v20, $0xF  }
0x83: {  	v12 =	vmul.f32 v12, v3;
	v9 =	vld [tilespmem:s31+$0x50];
	v10 =	vadd.f32 v24, v10  }
0x84: {  	v24 =	vmul.f32 $2.000000030e-01, v28;
	(erf) = vpow2.f32 v20;
	v20 =	vmax.f32 v27, v25;
	v27 =	vld [tilespmem:s4+$0x50]  }
0x85: {  	v12 =	vadd.f32 v12, v13;
	v13 =	vld [tilespmem:s31+$0x60];
	v20 =	vmul.f32 v20, v4  }
0x86: {  	v26 =	vadd.f32 $0.0e+00, v26;
	v14 =	vmul.f32 v14, v2;
	v25 =	vld [tilespmem:s31+$0x70];
	(xrf2) =	vadd.scan.msk.f32 $0xffff, v10;
	v10 =	vmax.f32 v28, v24  }
0x87: {  	v24 =	vadd.f32 v56, v8;
	v28 =	vld [tilespmem:s4+$0x70];
	v12 =	vadd.f32 v20, v12;
	v20 =	vmul.f32 $2.000000030e-01, v29  }
0x88: {  	v14 =	vadd.f32 v14, v26;
	v26 =	vmul.f32 v10, v3  }
0x89: {  	v37 =	vld [tilespmem:s4+$0x0];
	(xrf2) =	vadd.scan.msk.f32 $0xffff, v12;
	v12 =	vmax.f32 v29, v20;
	v20 =	vmul.f32 $2.000000030e-01, v24;
	v27 =	vadd.f32 v27, v9  }
0x8a: {  	v10 =	vld [tilespmem:s31+$0xFFFFFFC0];
	v36 =	vadd.f32 v31, v13;
	v14 =	vadd.f32 v26, v14  }
0x8b: {  	v29 =	vld [tilespmem:s4+$0xFFFFFFC0];
	v26 =	vmul.f32 v12, v4;
	v20 =	vmax.f32 v24, v20;
	v24 =	vmul.f32 $2.000000030e-01, v27  }
0x8c: {  	v12 =	vld [tilespmem:s31+$0x0];
	v28 =	vadd.f32 v28, v25;
	v20 =	vmul.f32 v20, v1  }
0x8d: {  	v57 =	vld [tilespmem:s4+$0xFFFFFF80];
	v26 =	vadd.f32 v26, v14;
	v31 =	vpop (erf);
	v24 =	vmax.f32 v27, v24;
	v27 =	vmul.f32 $2.000000030e-01, v36  }
0x8e: {  	v14 =	vld [tilespmem:s31+$0xFFFFFF80];
	v38 =	vmul.f32 v31, v15;
	v20 =	vadd.f32 $0.0e+00, v20;
	v24 =	vmul.f32 v24, v2  }
0x8f: {  	v58 =	vld [tilespmem:s4+$0xFFFFFF90];
	v40 =	vmul.f32 v31, v17;
	v17 =	vmax.f32 v36, v27;
	v27 =	vmul.f32 $2.000000030e-01, v28  }
0x90: {  	v39 =	vld [tilespmem:s4+$0xFFFFFFD0];
	v29 =	vadd.f32 v29, v10;
	v20 =	vadd.f32 v24, v20;
	v24 =	vmul.f32 v17, v3  }
0x91: {  	v15 =	vld [tilespmem:s31+$0xFFFFFF90];
	v41 =	vmul.f32 v31, v16;
	v37 =	vadd.f32 v37, v12;
	v27 =	vmax.f32 v28, v27  }
0x92: {  	v16, _, _ =	vpop (xrf2);
	v17 =	vld [tilespmem:s31+$0xFFFFFFD0];
	v59 =	vmul.f32 $2.000000030e-01, v29;
	v20 =	vadd.f32 v24, v20;
	v24 =	vmul.f32 v27, v4  }
0x93: {  	v42 =	vld [tilespmem:s4+$0x10];
	(xrf2) =	vadd.scan.msk.f32 $0xffff, v26;
	v28 =	vmul.f32 $1.442695020e+00, v16;
	v26 =	vadd.f32 v57, v14;
	v43 =	vmul.f32 $2.000000030e-01, v37  }
0x94: {  	v16 =	vld [tilespmem:s31+$0x10];
	v29 =	vmax.f32 v29, v59;
	v24 =	vadd.f32 v24, v20  }
0x95: {  	v60 =	vld [tilespmem:s4+$0xFFFFFFA0];
	v44 =	vbroadcast v28, $0xF;
	v28 =	vmul.f32 $2.000000030e-01, v26;
	v37 =	vmax.f32 v37, v43  }
0x96: {  	v36 =	vadd.f32 v58, v15;
	v29 =	vmul.f32 v29, v1;
	v27, _, _ =	vpop (xrf2);
	v20 =	vld [tilespmem:s31+$0xFFFFFFA0];
	v37 =	vmul.f32 v37, v1;
	(xrf2) =	vadd.scan.msk.f32 $0xffff, v24  }
0x97: {  	v45 =	vld [tilespmem:s4+$0xFFFFFFE0];
	v27 =	vmul.f32 $1.442695020e+00, v27;
	v26 =	vmax.f32 v26, v28;
	v28 =	vadd.f32 v39, v17  }
0x98: {  	v47 =	vld [tilespmem:s4+$0x20];
	v29 =	vadd.f32 $0.0e+00, v29;
	(erf) = vpow2.f32 v44;
	v61 =	vmul.f32 v26, v1  }
0x99: {  	v24 =	vld [tilespmem:s31+$0xFFFFFFE0];
	v42 =	vadd.f32 v42, v16;
	v43 =	vbroadcast v27, $0xF;
	v27 =	vmul.f32 $2.000000030e-01, v36  }
0x9a: {  	v26 =	vld [tilespmem:s31+$0x20];
	v37 =	vadd.f32 $0.0e+00, v37;
	v62 =	vmul.f32 $2.000000030e-01, v28;
	v39 =	vadd.f32 $0.0e+00, v61  }
0x9b: {  	v63 =	vld [tilespmem:s4+$0xFFFFFFB0];
	v48 =	vmul.f32 $2.000000030e-01, v42;
	v27 =	vmax.f32 v36, v27;
	v35 =	vadd.f32 v60, v20  }
0x9c: {  	v58 =	vld [tilespmem:s4+$0xFFFFFFF0];
	v28 =	vmax.f32 v28, v62;
	(erf) = vpow2.f32 v43;
	v46 =	vmul.f32 v27, v2  }
0x9d: {  	v49, _, _ =	vpop (xrf2);
	v27 =	vld [tilespmem:s31+$0xFFFFFFB0];
	v50 =	vmul.f32 v28, v2;
	v42 =	vmax.f32 v42, v48;
	v56 =	vmul.f32 $2.000000030e-01, v35  }
0x9e: {  	v28 =	vld [tilespmem:s31+$0xFFFFFFF0];
	v57 =	vmul.f32 $1.442695020e+00, v49;
	v45 =	vadd.f32 v45, v24;
	v42 =	vmul.f32 v42, v2  }
0x9f: {  	v52 =	vld [tilespmem:s4+$0x30];
	v47 =	vadd.f32 v47, v26;
	v39 =	vadd.f32 v46, v39;
	v35 =	vmax.f32 v35, v56  }
0xa0: {  	v50 =	vadd.f32 v50, v29;
	v29 =	vld [tilespmem:s31+$0x30];
	v51 =	vmul.f32 $2.000000030e-01, v45;
	v35 =	vmul.f32 v35, v3;
	v59, _, _ =	vpop (xrf2)  }
0xa1: {  	v36 =	vadd.f32 v42, v37;
	v61 =	vmul.f32 $2.000000030e-01, v47;
	v42 =	vmul.f32 $1.442695020e+00, v59  }
0xa2: {  	s29 =	simm.s32 $0xDEE0;
	v60 =	vadd.f32 v63, v27;
	v45 =	vmax.f32 v45, v51;
	v37 =	vadd.f32 v35, v39  }
0xa3: {  	[tilespmem:s29+$0x90] =	vst v31;
	v35 =	vbroadcast v57, $0xF;
	v39 =	vadd.f32 v58, v28;
	v62 =	vbroadcast v42, $0xF  }
0xa4: {  	[tilespmem:s29+$0x80] =	vst v38;
	v46 =	vmax.f32 v47, v61;
	v45 =	vmul.f32 v45, v3;
	v63 =	vmul.f32 $2.000000030e-01, v60  }
0xa5: {  	[tilespmem:s29+$0x50] =	vst v40;
	v38 =	vadd.f32 v52, v29;
	v42 =	vmul.f32 $2.000000030e-01, v39;
	(erf) = vpow2.f32 v62  }
0xa6: {  	s30 =	simm.s32 $0x4;
	s28 =	simm.s32 $0xDEE0;
	s0 =	simm.s32 $0x60C0;
	[tilespmem:s29+$0x60] =	vst v41;
	v41 =	vmul.f32 v46, v3;
	v40 =	vadd.f32 v45, v50;
	v43 =	vmax.f32 v60, v63  }
.LBB2_5:
0xa7: {  	v44 =	vld [tilespmem:s0+$0x40];
	v43 =	vmul.f32 v43, v4;
	v39 =	vmax.f32 v39, v42;
	v42 =	vmul.f32 $2.000000030e-01, v38;
	s4 =	sadd.s32 $0x100, s4  }
0xa8: {  	s30 =	sadd.s32 $0x4, s30;
	v45 =	vld [tilespmem:s4+$0x40];
	v39 =	vmul.f32 v39, v4;
	v36 =	vadd.f32 v41, v36;
	(erf) = vpow2.f32 v35  }
0xa9: {  	v7 =	vmul.f32 v31, v7;
	p1 =	slt.u32 s30, $0x7C;
	v35 =	vld [tilespmem:s0+$0x50];
	v43 =	vadd.f32 v43, v37;
	v38 =	vmax.f32 v38, v42;
	v31 =	vpop (erf)  }
0xaa: {  	v41 =	vld [tilespmem:s4+$0x50];
	v39 =	vadd.f32 v39, v40;
	v38 =	vmul.f32 v38, v4;
	v21 =	vmul.f32 v31, v21;
	[tilespmem:s29+$0xFFFFFFA0] =	vst v31  }
0xab: {  	v23 =	vmul.f32 v31, v23;
	v32 =	vmul.f32 v31, v32;
	v40 =	vld [tilespmem:s0+$0x60];
	(xrf2) =	vadd.scan.msk.f32 $0xffff, v43;
	[tilespmem:s29+$0x70] =	vst v7;
	v37 =	vpop (erf)  }
0xac: {  	v42 =	vld [tilespmem:s4+$0x60];
	v36 =	vadd.f32 v38, v36;
	[tilespmem:s29+$0xFFFFFF60] =	vst v21;
	v21 =	vmul.f32 v31, v34;
	v34 =	vmul.f32 v37, v6  }
0xad: {  	v18 =	vmul.f32 v37, v18;
	v38 =	vld [tilespmem:s0+$0x70];
	v43 =	vadd.f32 v45, v44;
	[tilespmem:s29+$0xFFFFFF70] =	vst v23;
	v23 =	vmul.f32 v37, v30  }
0xae: {  	v7 =	vmov v13;
	v30 =	vld [tilespmem:s4+$0x70];
	(xrf2) =	vadd.scan.msk.f32 $0xffff, v39;
	v31 =	vpop (erf);
	[tilespmem:s29+$0xFFFFFF80] =	vst v32;
	v32 =	vmul.f32 v37, v33  }
0xaf: {  	v6 =	vmovc v10;
	v33 =	vld [tilespmem:s4+$0xFFFFFF80];
	v47 =	vmul.f32 $2.000000030e-01, v43;
	v39 =	vadd.f32 v41, v35;
	v25 =	vmul.f32 v31, v25;
	[tilespmem:s29+$0xFFFFFF90] =	vst v21  }
0xb0: {  	v21 =	vmul.f32 v31, v8;
	v41 =	vmul.f32 v31, v9;
	s29 =	sadd.s32 $0x140, s29;
	v8 =	vmovc v44;
	v9 =	vmov v35;
	v10 =	vld [tilespmem:s0+$0xFFFFFFC0];
	[tilespmem:s28+$0xFFFFFFB0] =	vst v34  }
0xb1: {  	v34 =	vld [tilespmem:s4+$0xFFFFFFC0];
	v46 =	vmax.f32 v43, v47;
	v35 =	vmul.f32 $2.000000030e-01, v39;
	v42 =	vadd.f32 v42, v40;
	[tilespmem:s29+$0x80] =	vst v25;
	v43 =	vpop (erf)  }
0xb2: {  	v13 =	vmovc v40;
	v44 =	vld [tilespmem:s0+$0x0];
	v45 =	vmul.f32 v46, v1;
	(xrf2) =	vadd.scan.msk.f32 $0xffff, v36;
	[tilespmem:s28+$0xFFFFFFC0] =	vst v18;
	v18 =	vmul.f32 v43, v5  }
0xb3: {  	v36 =	vld [tilespmem:s4+$0x0];
	v46 =	vmax.f32 v39, v35;
	v35 =	vmul.f32 $2.000000030e-01, v42;
	v30 =	vadd.f32 v30, v38;
	[tilespmem:s28+$0xFFFFFFD0] =	vst v23;
	v25 =	vmovc v38  }
0xb4: {  	v11 =	vmul.f32 v43, v11;
	v5 =	vmovc v12;
	v23 =	vld [tilespmem:s0+$0xFFFFFF80];
	v38 =	vadd.f32 $0.0e+00, v45;
	v39 =	vmul.f32 v46, v2;
	[tilespmem:s28+$0xFFFFFFE0] =	vst v32  }
0xb5: {  	v32 =	vld [tilespmem:s0+$0xFFFFFF90];
	v42 =	vmax.f32 v42, v35;
	v35 =	vmul.f32 $2.000000030e-01, v30;
	v40, _, _ =	vpop (xrf2);
	[tilespmem:s28+$0x0] =	vst v18;
	v18 =	vmul.f32 v43, v19  }
0xb6: {  	v19 =	vld [tilespmem:s4+$0xFFFFFF90];
	v34 =	vadd.f32 v34, v10;
	v38 =	vadd.f32 v39, v38;
	v39 =	vmul.f32 v42, v3;
	[tilespmem:s28+$0x10] =	vst v11  }
0xb7: {  	v11 =	vld [tilespmem:s0+$0xFFFFFFD0];
	v30 =	vmax.f32 v30, v35;
	v35 =	vmul.f32 $1.442695020e+00, v40;
	[tilespmem:s28+$0x20] =	vst v18;
	v18 =	vmul.f32 v43, v22;
	v12 =	vmovc v44  }
0xb8: {  	v22 =	vld [tilespmem:s4+$0xFFFFFFD0];
	v36 =	vadd.f32 v36, v12;
	v38 =	vadd.f32 v39, v38;
	v30 =	vmul.f32 v30, v4;
	[tilespmem:s29+$0x50] =	vst v21;
	v21, _, _ =	vpop (xrf2)  }
0xb9: {  	v39 =	vmul.f32 $2.000000030e-01, v34;
	v33 =	vadd.f32 v33, v23;
	v40 =	vld [tilespmem:s0+$0x10];
	v42 =	vmul.f32 $1.442695020e+00, v21;
	[tilespmem:s28+$0x30] =	vst v18;
	v21 =	vmovc v14;
	v14 =	vmovc v23  }
0xba: {  	v23 =	vmovc v15;
	v44 =	vmul.f32 $2.000000030e-01, v36;
	v45 =	vld [tilespmem:s4+$0x10];
	v30 =	vadd.f32 v30, v38;
	v38 =	vbroadcast v35, $0xF;
	[tilespmem:s29+$0x60] =	vst v41;
	v15 =	vmovc v32  }
0xbb: {  	v34 =	vmax.f32 v34, v39;
	v35 =	vld [tilespmem:s0+$0xFFFFFFA0];
	v32 =	vmul.f32 $2.000000030e-01, v33;
	v19 =	vadd.f32 v19, v15;
	[tilespmem:s28+$0xFFFFFFF0] =	vst v37;
	v18 =	vmovc v17  }
0xbc: {  	v34 =	vmul.f32 v34, v1;
	v39 =	vbroadcast v42, $0xF;
	v37 =	vld [tilespmem:s4+$0xFFFFFFA0];
	v36 =	vmax.f32 v36, v44;
	(xrf2) =	vadd.scan.msk.f32 $0xffff, v30;
	v41, _, _ =	vpop (xrf2)  }
0xbd: {  	v17 =	vmovc v11;
	v30 =	vmax.f32 v33, v32;
	v46 =	vmul.f32 $2.000000030e-01, v19;
	v33 =	vld [tilespmem:s0+$0xFFFFFFE0];
	v22 =	vadd.f32 v22, v11;
	[tilespmem:s28+$0x40] =	vst v43;
	s28 =	smov.u32 s29  }
0xbe: {  	v42 =	vadd.f32 $0.0e+00, v34;
	v51 =	vmul.f32 v36, v1;
	v11 =	vmovc v16;
	v49 =	vmul.f32 v30, v1;
	v43 =	vld [tilespmem:s4+$0xFFFFFFE0];
	[tilespmem:s29+$0x90] =	vst v31  }
0xbf: {  	v16 =	vmovc v40;
	v50 =	vmax.f32 v19, v46;
	v36 =	vmul.f32 $2.000000030e-01, v22;
	v44 =	vld [tilespmem:s0+$0x20];
	v45 =	vadd.f32 v45, v40;
	v32 =	vmovc v20  }
0xc0: {  	v47 =	vadd.f32 $0.0e+00, v51;
	v40 =	vadd.f32 $0.0e+00, v49;
	v46 =	vmul.f32 v50, v2;
	v48 =	vld [tilespmem:s4+$0x20];
	v20 =	vmovc v35;
	v30 =	vmovc v24  }
0xc1: {  	v19 =	vmovc v26;
	v34 =	vmovc v27;
	v37 =	vadd.f32 v37, v20;
	v49 =	vmax.f32 v22, v36;
	v35 =	vmul.f32 $2.000000030e-01, v45;
	v27 =	vld [tilespmem:s0+$0xFFFFFFB0]  }
0xc2: {  	v36 =	vmul.f32 $1.442695020e+00, v41;
	v40 =	vadd.f32 v46, v40;
	v46 =	vld [tilespmem:s4+$0xFFFFFFB0];
	v50 =	vmul.f32 v49, v2;
	v24 =	vmovc v33;
	v33 =	vmovc v28  }
0xc3: {  	v22 =	vmovc v29;
	v41 =	vmul.f32 $2.000000030e-01, v37;
	v28 =	vld [tilespmem:s0+$0xFFFFFFF0];
	v43 =	vadd.f32 v43, v24;
	v35 =	vmax.f32 v45, v35  }
0xc4: {  	v45 =	vadd.f32 v50, v42;
	v42 =	vld [tilespmem:s4+$0xFFFFFFF0];
	v49 =	vmul.f32 v35, v2;
	v35 =	vbroadcast v36, $0xF;
	v26 =	vmovc v44  }
0xc5: {  	v36 =	vmax.f32 v37, v41;
	v41 =	vmul.f32 $2.000000030e-01, v43;
	v29 =	vld [tilespmem:s0+$0x30];
	v44 =	vadd.f32 v48, v26  }
0xc6: {  	v37 =	vmul.f32 v36, v3;
	v36 =	vadd.f32 v49, v47;
	v47 =	vld [tilespmem:s4+$0x30];
	v48, _, _ =	vpop (xrf2);
	(erf) = vpow2.f32 v38  }
0xc7: {  	v46 =	vadd.f32 v46, v27;
	v38 =	vmul.f32 $2.000000030e-01, v44;
	v48 =	vmul.f32 $1.442695020e+00, v48  }
.Ltmp1:
0xc8: {  	v37 =	vadd.f32 v37, v40;
	v40 =	vmax.f32 v43, v41;
	(erf) = vpow2.f32 v39;
	(pc) =	sbr.rel @p1 .LBB2_5-.Ltmp1, $4  }
0xc9: {  	v39 =	vadd.f32 v42, v28;
	v41 =	vmax.f32 v44, v38;
	v43 =	vbroadcast v48, $0xF  }
0xca: {  	v44 =	vmul.f32 $2.000000030e-01, v46;
	v40 =	vmul.f32 v40, v3  }
0xcb: {  	v42 =	vmul.f32 $2.000000030e-01, v39;
	v38 =	vadd.f32 v47, v29;
	(erf) = vpow2.f32 v43  }
0xcc: {  	s0 =	sadd.s32 $0x100, s0;
	v41 =	vmul.f32 v41, v3;
	v43 =	vmax.f32 v46, v44;
	v40 =	vadd.f32 v40, v45  }
0xcd: {  	v43 =	vmul.f32 v43, v4;
	_ =	sdelay $0x1  }
0xce: {  	v37 =	vadd.f32 v43, v37;
	_ =	sdelay $0x1  }
0xcf: {  	v48 =	vmul.f32 $2.000000030e-01, v38;
	(xrf2) =	vadd.scan.msk.f32 $0xffff, v37  }
0xd0: {  	v39 =	vmax.f32 v39, v42  }
0xd1: {  	(erf) = vpow2.f32 v35;
	v39 =	vmul.f32 v39, v4;
	v49 =	vmax.f32 v38, v48  }
0xd2: {  	v7 =	vmul.f32 v31, v7;
	v36 =	vadd.f32 v41, v36;
	v31 =	vpop (erf);
	v35 =	vmul.f32 v49, v4  }
0xd3: {  	v39 =	vadd.f32 v39, v40;
	v21 =	vmul.f32 v31, v21  }
0xd4: {  	[tilespmem:s29+$0x70] =	vst v7;
	v7 =	vadd.f32 v35, v36  }
0xd5: {  	[tilespmem:s29+$0xFFFFFFA0] =	vst v31;
	v23 =	vmul.f32 v31, v23;
	(xrf2) =	vadd.scan.msk.f32 $0xffff, v39  }
0xd6: {  	v32 =	vmul.f32 v31, v32;
	[tilespmem:s29+$0xFFFFFF60] =	vst v21;
	(xrf2) =	vadd.scan.msk.f32 $0xffff, v7  }
0xd7: {  	v31 =	vmul.f32 v31, v34;
	[tilespmem:s29+$0xFFFFFF70] =	vst v23;
	v21 =	vpop (erf)  }
0xd8: {  	[tilespmem:s29+$0xFFFFFF80] =	vst v32;
	v6 =	vmul.f32 v21, v6;
	v7 =	vpop (erf)  }
0xd9: {  	[tilespmem:s29+$0xFFFFFF90] =	vst v31;
	v18 =	vmul.f32 v21, v18;
	v23 =	vmul.f32 v7, v25;
	v25, _, _ =	vpop (xrf2)  }
0xda: {  	[tilespmem:s28+$0xFFFFFFB0] =	vst v6;
	v6 =	vmul.f32 $1.442695020e+00, v25;
	v25 =	vmul.f32 v21, v30;
	v30 =	vpop (erf)  }
0xdb: {  	[tilespmem:s28+$0xFFFFFFF0] =	vst v21;
	v5 =	vmul.f32 v30, v5  }
0xdc: {  	s0 =	sadd.s32 $0x140, s29;
	[tilespmem:s28+$0xFFFFFFC0] =	vst v18;
	v11 =	vmul.f32 v30, v11;
	v6 =	vbroadcast v6, $0xF  }
0xdd: {  	[tilespmem:s0+$0x90] =	vst v7  }
0xde: {  	[tilespmem:s28+$0x0] =	vst v5;
	v5 =	vmul.f32 v30, v19;
	(erf) = vpow2.f32 v6  }
0xdf: {  	v18, _, _ =	vpop (xrf2);
	[tilespmem:s28+$0x10] =	vst v11;
	v6 =	vmul.f32 v7, v8  }
0xe0: {  	v18 =	vmul.f32 $1.442695020e+00, v18;
	[tilespmem:s28+$0x20] =	vst v5;
	v11, _, _ =	vpop (xrf2)  }
0xe1: {  	v5 =	vmul.f32 v30, v22;
	[tilespmem:s0+$0x50] =	vst v6;
	v6 =	vmul.f32 $1.442695020e+00, v11  }
0xe2: {  	v9 =	vmul.f32 v7, v9;
	[tilespmem:s0+$0x80] =	vst v23;
	v8 =	vbroadcast v18, $0xF  }
0xe3: {  	v23 =	vmul.f32 v21, v33;
	[tilespmem:s28+$0x30] =	vst v5;
	v5 =	vbroadcast v6, $0xF  }
0xe4: {  	[tilespmem:s0+$0x60] =	vst v9;
	(erf) = vpow2.f32 v8  }
0xe5: {  	[tilespmem:s28+$0xFFFFFFE0] =	vst v23;
	(erf) = vpow2.f32 v5  }
0xe6: {  	[tilespmem:s28+$0x40] =	vst v30;
	v5 =	vmul.f32 v7, v13  }
0xe7: {  	[tilespmem:s28+$0xFFFFFFD0] =	vst v25;
	v6 =	vpop (erf)  }
0xe8: {  	[tilespmem:s0+$0x70] =	vst v5;
	v7 =	vmul.f32 v6, v14  }
0xe9: {  	[tilespmem:s0+$0xFFFFFFA0] =	vst v6;
	v8 =	vmul.f32 v6, v15  }
0xea: {  	v5 =	vmul.f32 v6, v20;
	[tilespmem:s0+$0xFFFFFF60] =	vst v7  }
0xeb: {  	v6 =	vmul.f32 v6, v27;
	[tilespmem:s0+$0xFFFFFF70] =	vst v8  }
0xec: {  	[tilespmem:s0+$0xFFFFFF80] =	vst v5  }
0xed: {  	[tilespmem:s0+$0xFFFFFF90] =	vst v6;
	v7 =	vpop (erf)  }
0xee: {  	v8 =	vmul.f32 v7, v10;
	v9 =	vpop (erf);
	[tilespmem:s0+$0xFFFFFFF0] =	vst v7  }
0xef: {  	v5 =	vmul.f32 v7, v17;
	[tilespmem:s0+$0x40] =	vst v9  }
0xf0: {  	v6 =	vmul.f32 v7, v24;
	[tilespmem:s0+$0xFFFFFFB0] =	vst v8  }
0xf1: {  	v8 =	vmul.f32 v7, v28;
	[tilespmem:s0+$0xFFFFFFC0] =	vst v5  }
0xf2: {  	v5 =	vmul.f32 v9, v12;
	[tilespmem:s0+$0xFFFFFFD0] =	vst v6  }
0xf3: {  	v6 =	vmul.f32 v9, v16;
	[tilespmem:s0+$0xFFFFFFE0] =	vst v8  }
0xf4: {  	[tilespmem:s0+$0x0] =	vst v5;
	v5 =	vmul.f32 v9, v26  }
0xf5: {  	p1 =	sge.u32 s26, s17;
	[tilespmem:s0+$0x10] =	vst v6;
	v6 =	vmul.f32 v9, v29  }
0xf6: {  	s4 =	sshll.u32 @!p1 s26, $0x8;
	[tilespmem:s0+$0x20] =	vst v5  }
0xf7: {  	s9 =	simm.s32 @!p1 $0x80;
	s28 =	simm.s32 @!p1 $0x5E40;
	[tilespmem:s0+$0x30] =	vst v6;
	s0 =	sadd.s32 @!p1 $0x140, s4  }
0xf8: {  	[tilespmem:s28], [sflag:$0x1] =	stream.indirect.gather @!p1 [hbm4b:s5+s9], $0x40, s0, s9, $0xb8;
	[tilespmem:$0x1CE40] =	vst v63  }
0xf9: {  	s0 =	sadd.s32 @!p1 $0x3040, s4;
	s28 =	simm.s32 @!p1 $0x9E40  }
0xfa: {  	[tilespmem:s28], [sflag:$0x3] =	stream.indirect.gather @!p1 [hbm4b:s6+s9], $0x40, s0, s9, $0xb8;
	[tilespmem:$0x1CE40] =	vst v63  }
0xfb: {  	s9 =	sshll.u32 s26, $0xA  }
0xfc: {  	s28 =	sshra.s32 s9, $0x2  }
0xfd: {  	s0 =	sadd.s32 $0x2F40, s28  }
0xfe: {  	[spmem:s3] =	stream.indirect.scatter.add.f32 [tilespmem:s20], [sflag:$0x5], $0x50, s0, s22, $0xb8;
	[tilespmem:$0x1CE40] =	vst v63  }
0xff: {  	_ =	swait.ge [sflag:s21], $0x2800  }
0x100: {  	[sflag:s21] =	ssyncset.done $0x0  }
0x101: {  	[sflag:s21] =	ssyncadd.s32 $0xFFFFD800  }
0x102: {  	_ =	swait.ge [sflag:s23], $0x2000  }
0x103: {  	[sflag:s23] =	ssyncset.done $0x0  }
0x104: {  	[sflag:s23] =	ssyncadd.s32 $0xFFFFE000  }
0x105: {  	_ =	swait.ge [sflag:s24], $0x2000  }
0x106: {  	[sflag:s24] =	ssyncset.done $0x0  }
0x107: {  	s9 =	simm.s32 $0x7EC0;
	[sflag:s24] =	ssyncadd.s32 $0xFFFFE000  }
0x108: {  	s0 =	simm.s32 $0xBEC0;
	v17 =	vld [tilespmem:s9+$0x40]  }
0x109: {  	v5 =	vld [tilespmem:s0+$0x40]  }
0x10a: {  	v16 =	vld [tilespmem:s9+$0x50]  }
0x10b: {  	v6 =	vld [tilespmem:s0+$0x50]  }
0x10c: {  	v7 =	vld [tilespmem:s9+$0x60]  }
0x10d: {  	v8 =	vld [tilespmem:s0+$0x60]  }
0x10e: {  	v15 =	vld [tilespmem:s9+$0x70]  }
0x10f: {  	v9 =	vld [tilespmem:s0+$0x70]  }
0x110: {  	v10 =	vld [tilespmem:s0+$0xFFFFFF80]  }
0x111: {  	v13 =	vld [tilespmem:s0+$0xFFFFFFC0]  }
0x112: {  	v19 =	vld [tilespmem:s0+$0x0]  }
0x113: {  	v21 =	vld [tilespmem:s9+$0xFFFFFF80];
	v5 =	vadd.f32 v5, v17  }
0x114: {  	v23 =	vld [tilespmem:s9+$0xFFFFFF90]  }
0x115: {  	v20 =	vld [tilespmem:s0+$0xFFFFFF90];
	v12 =	vadd.f32 v6, v16;
	v11 =	vmul.f32 $2.000000030e-01, v5  }
0x116: {  	v18 =	vld [tilespmem:s9+$0xFFFFFFD0]  }
0x117: {  	v32 =	vld [tilespmem:s9+$0xFFFFFFA0];
	v8 =	vadd.f32 v8, v7;
	v14 =	vmul.f32 $2.000000030e-01, v12;
	v11 =	vmax.f32 v5, v11  }
0x118: {  	v22 =	vld [tilespmem:s0+$0xFFFFFFA0];
	v11 =	vmul.f32 v11, v1  }
0x119: {  	v30 =	vld [tilespmem:s9+$0xFFFFFFE0];
	v9 =	vadd.f32 v9, v15;
	v12 =	vmax.f32 v12, v14;
	v14 =	vmul.f32 $2.000000030e-01, v8  }
0x11a: {  	v6 =	vld [tilespmem:s9+$0xFFFFFFC0];
	v12 =	vmul.f32 v12, v2;
	v11 =	vadd.f32 $0.0e+00, v11  }
0x11b: {  	v5 =	vld [tilespmem:s9+$0x0];
	v8 =	vmax.f32 v8, v14;
	v14 =	vmul.f32 $2.000000030e-01, v9  }
0x11c: {  	v25 =	vld [tilespmem:s0+$0xFFFFFFE0];
	v8 =	vmul.f32 v8, v3;
	v11 =	vadd.f32 v12, v11  }
0x11d: {  	v33 =	vld [tilespmem:s9+$0xFFFFFFF0];
	v9 =	vmax.f32 v9, v14  }
0x11e: {  	v27 =	vld [tilespmem:s0+$0xFFFFFFF0];
	v9 =	vmul.f32 v9, v4;
	v8 =	vadd.f32 v8, v11  }
0x11f: {  	v10 =	vadd.f32 v10, v21;
	v13 =	vadd.f32 v13, v6;
	v14 =	vld [tilespmem:s0+$0x10]  }
0x120: {  	v12 =	vld [tilespmem:s0+$0xFFFFFFD0];
	v8 =	vadd.f32 v9, v8;
	v9 =	vadd.f32 v19, v5  }
0x121: {  	v24 =	vmul.f32 $2.000000030e-01, v10;
	v11 =	vld [tilespmem:s9+$0x10]  }
0x122: {  	v34 =	vld [tilespmem:s9+$0xFFFFFFB0];
	v20 =	vadd.f32 v20, v23;
	v19 =	vmul.f32 $2.000000030e-01, v13;
	(xrf2) =	vadd.scan.msk.f32 $0xffff, v8;
	v8 =	vmul.f32 $2.000000030e-01, v9  }
0x123: {  	v28 =	vld [tilespmem:s0+$0x20];
	v25 =	vadd.f32 v25, v30;
	v27 =	vadd.f32 v27, v33  }
0x124: {  	v13 =	vmax.f32 v13, v19;
	v8 =	vmax.f32 v9, v8;
	v9 =	vmax.f32 v10, v24;
	v24 =	vld [tilespmem:s0+$0xFFFFFFB0]  }
0x125: {  	v12 =	vadd.f32 v12, v18;
	v19 =	vld [tilespmem:s9+$0x20];
	v13 =	vmul.f32 v13, v1;
	v10 =	vmul.f32 $2.000000030e-01, v20  }
0x126: {  	v14 =	vadd.f32 v14, v11;
	v9 =	vmul.f32 v9, v1;
	v26 =	vmul.f32 v8, v1  }
0x127: {  	v8 =	vmax.f32 v20, v10;
	v10 =	vmul.f32 $2.000000030e-01, v12;
	v20 =	vadd.f32 v22, v32  }
0x128: {  	v31 =	vld [tilespmem:s0+$0x30];
	v13 =	vadd.f32 $0.0e+00, v13;
	v9 =	vadd.f32 $0.0e+00, v9;
	v8 =	vmul.f32 v8, v2  }
0x129: {  	v22 =	vld [tilespmem:s9+$0x30];
	v10 =	vmax.f32 v12, v10;
	v12 =	vmul.f32 $2.000000030e-01, v20;
	v24 =	vadd.f32 v24, v34  }
0x12a: {  	v29 =	vmul.f32 $2.000000030e-01, v14;
	v28 =	vadd.f32 v28, v19;
	v9 =	vadd.f32 v8, v9  }
0x12b: {  	v8 =	vmul.f32 v10, v2;
	v10 =	vmax.f32 v20, v12;
	v50 =	vmul.f32 $2.000000030e-01, v24  }
0x12c: {  	s29 =	simm.s32 $0xBFC0;
	v14 =	vmax.f32 v14, v29;
	v12 =	vmul.f32 $2.000000030e-01, v25;
	v10 =	vmul.f32 v10, v3;
	v20, _, _ =	vpop (xrf2)  }
0x12d: {  	v51 =	vld [tilespmem:s29+$0x40];
	s9 =	simm.s32 $0x7FC0;
	v13 =	vadd.f32 v8, v13;
	v20 =	vmul.f32 $1.442695020e+00, v20;
	v24 =	vmax.f32 v24, v50  }
0x12e: {  	v8 =	vld [tilespmem:s9+$0x40];
	v29 =	vadd.f32 v31, v22;
	v10 =	vadd.f32 v10, v9;
	v24 =	vmul.f32 v24, v4  }
0x12f: {  	v31 =	vld [tilespmem:s29+$0x60];
	v12 =	vmax.f32 v25, v12;
	v25 =	vmul.f32 $2.000000030e-01, v27;
	v20 =	vbroadcast v20, $0xF  }
0x130: {  	v12 =	vmul.f32 v12, v3;
	v9 =	vld [tilespmem:s9+$0x50];
	v10 =	vadd.f32 v24, v10  }
0x131: {  	v24 =	vmul.f32 $2.000000030e-01, v28;
	(erf) = vpow2.f32 v20;
	v20 =	vmax.f32 v27, v25;
	v27 =	vld [tilespmem:s29+$0x50]  }
0x132: {  	v12 =	vadd.f32 v12, v13;
	v13 =	vld [tilespmem:s9+$0x60];
	v20 =	vmul.f32 v20, v4  }
0x133: {  	v26 =	vadd.f32 $0.0e+00, v26;
	v14 =	vmul.f32 v14, v2;
	v25 =	vld [tilespmem:s9+$0x70];
	(xrf2) =	vadd.scan.msk.f32 $0xffff, v10;
	v10 =	vmax.f32 v28, v24  }
0x134: {  	v24 =	vadd.f32 v51, v8;
	v28 =	vld [tilespmem:s29+$0x70];
	v12 =	vadd.f32 v20, v12;
	v20 =	vmul.f32 $2.000000030e-01, v29  }
0x135: {  	v14 =	vadd.f32 v14, v26;
	v26 =	vmul.f32 v10, v3  }
0x136: {  	v54 =	vld [tilespmem:s29+$0x0];
	(xrf2) =	vadd.scan.msk.f32 $0xffff, v12;
	v12 =	vmax.f32 v29, v20;
	v20 =	vmul.f32 $2.000000030e-01, v24;
	v27 =	vadd.f32 v27, v9  }
0x137: {  	v10 =	vld [tilespmem:s9+$0xFFFFFFC0];
	v53 =	vadd.f32 v31, v13;
	v14 =	vadd.f32 v26, v14  }
0x138: {  	v29 =	vld [tilespmem:s29+$0xFFFFFFC0];
	v26 =	vmul.f32 v12, v4;
	v20 =	vmax.f32 v24, v20;
	v24 =	vmul.f32 $2.000000030e-01, v27  }
0x139: {  	v12 =	vld [tilespmem:s9+$0x0];
	v28 =	vadd.f32 v28, v25;
	v20 =	vmul.f32 v20, v1  }
0x13a: {  	v52 =	vld [tilespmem:s29+$0xFFFFFF80];
	v26 =	vadd.f32 v26, v14;
	v31 =	vpop (erf);
	v24 =	vmax.f32 v27, v24;
	v27 =	vmul.f32 $2.000000030e-01, v53  }
0x13b: {  	v14 =	vld [tilespmem:s9+$0xFFFFFF80];
	v38 =	vmul.f32 v31, v15;
	v20 =	vadd.f32 $0.0e+00, v20;
	v24 =	vmul.f32 v24, v2  }
0x13c: {  	v55 =	vld [tilespmem:s29+$0xFFFFFF90];
	v40 =	vmul.f32 v31, v17;
	v17 =	vmax.f32 v53, v27;
	v27 =	vmul.f32 $2.000000030e-01, v28  }
0x13d: {  	v56 =	vld [tilespmem:s29+$0xFFFFFFD0];
	v29 =	vadd.f32 v29, v10;
	v20 =	vadd.f32 v24, v20;
	v24 =	vmul.f32 v17, v3  }
0x13e: {  	v15 =	vld [tilespmem:s9+$0xFFFFFF90];
	v41 =	vmul.f32 v31, v16;
	v37 =	vadd.f32 v54, v12;
	v27 =	vmax.f32 v28, v27  }
0x13f: {  	v16, _, _ =	vpop (xrf2);
	v17 =	vld [tilespmem:s9+$0xFFFFFFD0];
	v57 =	vmul.f32 $2.000000030e-01, v29;
	v20 =	vadd.f32 v24, v20;
	v24 =	vmul.f32 v27, v4  }
0x140: {  	v58 =	vld [tilespmem:s29+$0x10];
	(xrf2) =	vadd.scan.msk.f32 $0xffff, v26;
	v28 =	vmul.f32 $1.442695020e+00, v16;
	v26 =	vadd.f32 v52, v14;
	v59 =	vmul.f32 $2.000000030e-01, v37  }
0x141: {  	v16 =	vld [tilespmem:s9+$0x10];
	v29 =	vmax.f32 v29, v57;
	v24 =	vadd.f32 v24, v20  }
0x142: {  	v60 =	vld [tilespmem:s29+$0xFFFFFFA0];
	v44 =	vbroadcast v28, $0xF;
	v28 =	vmul.f32 $2.000000030e-01, v26;
	v37 =	vmax.f32 v37, v59  }
0x143: {  	v36 =	vadd.f32 v55, v15;
	v29 =	vmul.f32 v29, v1;
	v27, _, _ =	vpop (xrf2);
	v20 =	vld [tilespmem:s9+$0xFFFFFFA0];
	v37 =	vmul.f32 v37, v1;
	(xrf2) =	vadd.scan.msk.f32 $0xffff, v24  }
0x144: {  	v45 =	vld [tilespmem:s29+$0xFFFFFFE0];
	v27 =	vmul.f32 $1.442695020e+00, v27;
	v26 =	vmax.f32 v26, v28;
	v28 =	vadd.f32 v56, v17  }
0x145: {  	v47 =	vld [tilespmem:s29+$0x20];
	v29 =	vadd.f32 $0.0e+00, v29;
	(erf) = vpow2.f32 v44;
	v61 =	vmul.f32 v26, v1  }
0x146: {  	v24 =	vld [tilespmem:s9+$0xFFFFFFE0];
	v42 =	vadd.f32 v58, v16;
	v43 =	vbroadcast v27, $0xF;
	v27 =	vmul.f32 $2.000000030e-01, v36  }
0x147: {  	v26 =	vld [tilespmem:s9+$0x20];
	v37 =	vadd.f32 $0.0e+00, v37;
	v62 =	vmul.f32 $2.000000030e-01, v28;
	v39 =	vadd.f32 $0.0e+00, v61  }
0x148: {  	v63 =	vld [tilespmem:s29+$0xFFFFFFB0];
	v48 =	vmul.f32 $2.000000030e-01, v42;
	v27 =	vmax.f32 v36, v27;
	v35 =	vadd.f32 v60, v20  }
0x149: {  	v58 =	vld [tilespmem:s29+$0xFFFFFFF0];
	v28 =	vmax.f32 v28, v62;
	(erf) = vpow2.f32 v43;
	v46 =	vmul.f32 v27, v2  }
0x14a: {  	v49, _, _ =	vpop (xrf2);
	v27 =	vld [tilespmem:s9+$0xFFFFFFB0];
	v50 =	vmul.f32 v28, v2;
	v42 =	vmax.f32 v42, v48;
	v56 =	vmul.f32 $2.000000030e-01, v35  }
0x14b: {  	v28 =	vld [tilespmem:s9+$0xFFFFFFF0];
	v57 =	vmul.f32 $1.442695020e+00, v49;
	v45 =	vadd.f32 v45, v24;
	v42 =	vmul.f32 v42, v2  }
0x14c: {  	v52 =	vld [tilespmem:s29+$0x30];
	v47 =	vadd.f32 v47, v26;
	v39 =	vadd.f32 v46, v39;
	v35 =	vmax.f32 v35, v56  }
0x14d: {  	v50 =	vadd.f32 v50, v29;
	v29 =	vld [tilespmem:s9+$0x30];
	v51 =	vmul.f32 $2.000000030e-01, v45;
	v35 =	vmul.f32 v35, v3;
	v59, _, _ =	vpop (xrf2)  }
0x14e: {  	v36 =	vadd.f32 v42, v37;
	v61 =	vmul.f32 $2.000000030e-01, v47;
	v42 =	vmul.f32 $1.442695020e+00, v59  }
0x14f: {  	s31 =	simm.s32 $0xDEE0;
	v60 =	vadd.f32 v63, v27;
	v45 =	vmax.f32 v45, v51;
	v37 =	vadd.f32 v35, v39  }
0x150: {  	[tilespmem:s31+$0x90] =	vst v31;
	v35 =	vbroadcast v57, $0xF;
	v39 =	vadd.f32 v58, v28;
	v62 =	vbroadcast v42, $0xF  }
0x151: {  	[tilespmem:s31+$0x80] =	vst v38;
	v46 =	vmax.f32 v47, v61;
	v45 =	vmul.f32 v45, v3;
	v63 =	vmul.f32 $2.000000030e-01, v60  }
0x152: {  	[tilespmem:s31+$0x50] =	vst v40;
	v38 =	vadd.f32 v52, v29;
	v42 =	vmul.f32 $2.000000030e-01, v39;
	(erf) = vpow2.f32 v62  }
0x153: {  	s30 =	simm.s32 $0xDEE0;
	s0 =	simm.s32 $0x4;
	[tilespmem:s31+$0x60] =	vst v41;
	s9 =	simm.s32 $0x80C0;
	v41 =	vmul.f32 v46, v3;
	v40 =	vadd.f32 v45, v50;
	v43 =	vmax.f32 v60, v63  }
.LBB2_7:
0x154: {  	v44 =	vld [tilespmem:s9+$0x40];
	v43 =	vmul.f32 v43, v4;
	v39 =	vmax.f32 v39, v42;
	v42 =	vmul.f32 $2.000000030e-01, v38;
	s29 =	sadd.s32 $0x100, s29  }
0x155: {  	s0 =	sadd.s32 $0x4, s0;
	v45 =	vld [tilespmem:s29+$0x40];
	v39 =	vmul.f32 v39, v4;
	v36 =	vadd.f32 v41, v36;
	(erf) = vpow2.f32 v35  }
0x156: {  	v7 =	vmul.f32 v31, v7;
	p2 =	slt.u32 s0, $0x7C;
	v35 =	vld [tilespmem:s9+$0x50];
	v43 =	vadd.f32 v43, v37;
	v38 =	vmax.f32 v38, v42;
	v31 =	vpop (erf)  }
0x157: {  	v41 =	vld [tilespmem:s29+$0x50];
	v39 =	vadd.f32 v39, v40;
	v38 =	vmul.f32 v38, v4;
	v21 =	vmul.f32 v31, v21;
	[tilespmem:s31+$0xFFFFFFA0] =	vst v31  }
0x158: {  	v23 =	vmul.f32 v31, v23;
	v32 =	vmul.f32 v31, v32;
	v40 =	vld [tilespmem:s9+$0x60];
	(xrf2) =	vadd.scan.msk.f32 $0xffff, v43;
	[tilespmem:s31+$0x70] =	vst v7;
	v37 =	vpop (erf)  }
0x159: {  	v42 =	vld [tilespmem:s29+$0x60];
	v36 =	vadd.f32 v38, v36;
	[tilespmem:s31+$0xFFFFFF60] =	vst v21;
	v21 =	vmul.f32 v31, v34;
	v34 =	vmul.f32 v37, v6  }
0x15a: {  	v18 =	vmul.f32 v37, v18;
	v38 =	vld [tilespmem:s9+$0x70];
	v43 =	vadd.f32 v45, v44;
	[tilespmem:s31+$0xFFFFFF70] =	vst v23;
	v23 =	vmul.f32 v37, v30  }
0x15b: {  	v7 =	vmov v13;
	v30 =	vld [tilespmem:s29+$0x70];
	(xrf2) =	vadd.scan.msk.f32 $0xffff, v39;
	v31 =	vpop (erf);
	[tilespmem:s31+$0xFFFFFF80] =	vst v32;
	v32 =	vmul.f32 v37, v33  }
0x15c: {  	v6 =	vmovc v10;
	v33 =	vld [tilespmem:s29+$0xFFFFFF80];
	v47 =	vmul.f32 $2.000000030e-01, v43;
	v39 =	vadd.f32 v41, v35;
	v25 =	vmul.f32 v31, v25;
	[tilespmem:s31+$0xFFFFFF90] =	vst v21  }
0x15d: {  	v21 =	vmul.f32 v31, v8;
	v41 =	vmul.f32 v31, v9;
	s31 =	sadd.s32 $0x140, s31;
	v8 =	vmovc v44;
	v9 =	vmov v35;
	v10 =	vld [tilespmem:s9+$0xFFFFFFC0];
	[tilespmem:s30+$0xFFFFFFB0] =	vst v34  }
0x15e: {  	v34 =	vld [tilespmem:s29+$0xFFFFFFC0];
	v46 =	vmax.f32 v43, v47;
	v35 =	vmul.f32 $2.000000030e-01, v39;
	v42 =	vadd.f32 v42, v40;
	[tilespmem:s31+$0x80] =	vst v25;
	v43 =	vpop (erf)  }
0x15f: {  	v13 =	vmovc v40;
	v44 =	vld [tilespmem:s9+$0x0];
	v45 =	vmul.f32 v46, v1;
	(xrf2) =	vadd.scan.msk.f32 $0xffff, v36;
	[tilespmem:s30+$0xFFFFFFC0] =	vst v18;
	v18 =	vmul.f32 v43, v5  }
0x160: {  	v36 =	vld [tilespmem:s29+$0x0];
	v46 =	vmax.f32 v39, v35;
	v35 =	vmul.f32 $2.000000030e-01, v42;
	v30 =	vadd.f32 v30, v38;
	[tilespmem:s30+$0xFFFFFFD0] =	vst v23;
	v25 =	vmovc v38  }
0x161: {  	v11 =	vmul.f32 v43, v11;
	v5 =	vmovc v12;
	v23 =	vld [tilespmem:s9+$0xFFFFFF80];
	v38 =	vadd.f32 $0.0e+00, v45;
	v39 =	vmul.f32 v46, v2;
	[tilespmem:s30+$0xFFFFFFE0] =	vst v32  }
0x162: {  	v32 =	vld [tilespmem:s9+$0xFFFFFF90];
	v42 =	vmax.f32 v42, v35;
	v35 =	vmul.f32 $2.000000030e-01, v30;
	v40, _, _ =	vpop (xrf2);
	[tilespmem:s30+$0x0] =	vst v18;
	v18 =	vmul.f32 v43, v19  }
0x163: {  	v19 =	vld [tilespmem:s29+$0xFFFFFF90];
	v34 =	vadd.f32 v34, v10;
	v38 =	vadd.f32 v39, v38;
	v39 =	vmul.f32 v42, v3;
	[tilespmem:s30+$0x10] =	vst v11  }
0x164: {  	v11 =	vld [tilespmem:s9+$0xFFFFFFD0];
	v30 =	vmax.f32 v30, v35;
	v35 =	vmul.f32 $1.442695020e+00, v40;
	[tilespmem:s30+$0x20] =	vst v18;
	v18 =	vmul.f32 v43, v22;
	v12 =	vmovc v44  }
0x165: {  	v22 =	vld [tilespmem:s29+$0xFFFFFFD0];
	v36 =	vadd.f32 v36, v12;
	v38 =	vadd.f32 v39, v38;
	v30 =	vmul.f32 v30, v4;
	[tilespmem:s31+$0x50] =	vst v21;
	v21, _, _ =	vpop (xrf2)  }
0x166: {  	v39 =	vmul.f32 $2.000000030e-01, v34;
	v33 =	vadd.f32 v33, v23;
	v40 =	vld [tilespmem:s9+$0x10];
	v42 =	vmul.f32 $1.442695020e+00, v21;
	[tilespmem:s30+$0x30] =	vst v18;
	v21 =	vmovc v14;
	v14 =	vmovc v23  }
0x167: {  	v23 =	vmovc v15;
	v44 =	vmul.f32 $2.000000030e-01, v36;
	v45 =	vld [tilespmem:s29+$0x10];
	v30 =	vadd.f32 v30, v38;
	v38 =	vbroadcast v35, $0xF;
	[tilespmem:s31+$0x60] =	vst v41;
	v15 =	vmovc v32  }
0x168: {  	v34 =	vmax.f32 v34, v39;
	v35 =	vld [tilespmem:s9+$0xFFFFFFA0];
	v32 =	vmul.f32 $2.000000030e-01, v33;
	v19 =	vadd.f32 v19, v15;
	[tilespmem:s30+$0xFFFFFFF0] =	vst v37;
	v18 =	vmovc v17  }
0x169: {  	v34 =	vmul.f32 v34, v1;
	v39 =	vbroadcast v42, $0xF;
	v37 =	vld [tilespmem:s29+$0xFFFFFFA0];
	v36 =	vmax.f32 v36, v44;
	(xrf2) =	vadd.scan.msk.f32 $0xffff, v30;
	v41, _, _ =	vpop (xrf2)  }
0x16a: {  	v17 =	vmovc v11;
	v30 =	vmax.f32 v33, v32;
	v46 =	vmul.f32 $2.000000030e-01, v19;
	v33 =	vld [tilespmem:s9+$0xFFFFFFE0];
	v22 =	vadd.f32 v22, v11;
	[tilespmem:s30+$0x40] =	vst v43;
	s30 =	smov.u32 s31  }
0x16b: {  	v42 =	vadd.f32 $0.0e+00, v34;
	v51 =	vmul.f32 v36, v1;
	v11 =	vmovc v16;
	v49 =	vmul.f32 v30, v1;
	v43 =	vld [tilespmem:s29+$0xFFFFFFE0];
	[tilespmem:s31+$0x90] =	vst v31  }
0x16c: {  	v16 =	vmovc v40;
	v50 =	vmax.f32 v19, v46;
	v36 =	vmul.f32 $2.000000030e-01, v22;
	v44 =	vld [tilespmem:s9+$0x20];
	v45 =	vadd.f32 v45, v40;
	v32 =	vmovc v20  }
0x16d: {  	v47 =	vadd.f32 $0.0e+00, v51;
	v40 =	vadd.f32 $0.0e+00, v49;
	v46 =	vmul.f32 v50, v2;
	v48 =	vld [tilespmem:s29+$0x20];
	v20 =	vmovc v35;
	v30 =	vmovc v24  }
0x16e: {  	v19 =	vmovc v26;
	v34 =	vmovc v27;
	v37 =	vadd.f32 v37, v20;
	v49 =	vmax.f32 v22, v36;
	v35 =	vmul.f32 $2.000000030e-01, v45;
	v27 =	vld [tilespmem:s9+$0xFFFFFFB0]  }
0x16f: {  	v36 =	vmul.f32 $1.442695020e+00, v41;
	v40 =	vadd.f32 v46, v40;
	v46 =	vld [tilespmem:s29+$0xFFFFFFB0];
	v50 =	vmul.f32 v49, v2;
	v24 =	vmovc v33;
	v33 =	vmovc v28  }
0x170: {  	v22 =	vmovc v29;
	v41 =	vmul.f32 $2.000000030e-01, v37;
	v28 =	vld [tilespmem:s9+$0xFFFFFFF0];
	v43 =	vadd.f32 v43, v24;
	v35 =	vmax.f32 v45, v35  }
0x171: {  	v45 =	vadd.f32 v50, v42;
	v42 =	vld [tilespmem:s29+$0xFFFFFFF0];
	v49 =	vmul.f32 v35, v2;
	v35 =	vbroadcast v36, $0xF;
	v26 =	vmovc v44  }
0x172: {  	v36 =	vmax.f32 v37, v41;
	v41 =	vmul.f32 $2.000000030e-01, v43;
	v29 =	vld [tilespmem:s9+$0x30];
	v44 =	vadd.f32 v48, v26  }
0x173: {  	v37 =	vmul.f32 v36, v3;
	v36 =	vadd.f32 v49, v47;
	v47 =	vld [tilespmem:s29+$0x30];
	v48, _, _ =	vpop (xrf2);
	(erf) = vpow2.f32 v38  }
0x174: {  	v46 =	vadd.f32 v46, v27;
	v38 =	vmul.f32 $2.000000030e-01, v44;
	v48 =	vmul.f32 $1.442695020e+00, v48  }
.Ltmp2:
0x175: {  	v37 =	vadd.f32 v37, v40;
	v40 =	vmax.f32 v43, v41;
	(erf) = vpow2.f32 v39;
	(pc) =	sbr.rel @p2 .LBB2_7-.Ltmp2, $4  }
0x176: {  	v39 =	vadd.f32 v42, v28;
	v41 =	vmax.f32 v44, v38;
	v43 =	vbroadcast v48, $0xF  }
0x177: {  	v44 =	vmul.f32 $2.000000030e-01, v46;
	v40 =	vmul.f32 v40, v3  }
0x178: {  	v42 =	vmul.f32 $2.000000030e-01, v39;
	v38 =	vadd.f32 v47, v29;
	(erf) = vpow2.f32 v43  }
0x179: {  	s9 =	sadd.s32 $0x100, s9;
	v41 =	vmul.f32 v41, v3;
	v43 =	vmax.f32 v46, v44;
	v40 =	vadd.f32 v40, v45  }
0x17a: {  	v43 =	vmul.f32 v43, v4;
	_ =	sdelay $0x1  }
0x17b: {  	v37 =	vadd.f32 v43, v37;
	_ =	sdelay $0x1  }
0x17c: {  	v48 =	vmul.f32 $2.000000030e-01, v38;
	(xrf2) =	vadd.scan.msk.f32 $0xffff, v37  }
0x17d: {  	v39 =	vmax.f32 v39, v42  }
0x17e: {  	(erf) = vpow2.f32 v35;
	v39 =	vmul.f32 v39, v4;
	v49 =	vmax.f32 v38, v48  }
0x17f: {  	v7 =	vmul.f32 v31, v7;
	v36 =	vadd.f32 v41, v36;
	v35 =	vmul.f32 v49, v4  }
0x180: {  	v50 =	vpop (erf);
	v39 =	vadd.f32 v39, v40  }
0x181: {  	[tilespmem:s31+$0x70] =	vst v7;
	v21 =	vmul.f32 v50, v21;
	v7 =	vadd.f32 v35, v36  }
0x182: {  	[tilespmem:s31+$0xFFFFFFA0] =	vst v50;
	v23 =	vmul.f32 v50, v23;
	(xrf2) =	vadd.scan.msk.f32 $0xffff, v39  }
0x183: {  	v32 =	vmul.f32 v50, v32;
	[tilespmem:s31+$0xFFFFFF60] =	vst v21;
	(xrf2) =	vadd.scan.msk.f32 $0xffff, v7  }
0x184: {  	v31 =	vmul.f32 v50, v34;
	v51 =	vpop (erf);
	[tilespmem:s31+$0xFFFFFF70] =	vst v23  }
0x185: {  	v6 =	vmul.f32 v51, v6;
	[tilespmem:s31+$0xFFFFFF80] =	vst v32  }
0x186: {  	[tilespmem:s31+$0xFFFFFF90] =	vst v31;
	v53, _, _ =	vpop (xrf2)  }
0x187: {  	v18 =	vmul.f32 v51, v18;
	[tilespmem:s30+$0xFFFFFFB0] =	vst v6;
	v7 =	vpop (erf);
	v6 =	vmul.f32 $1.442695020e+00, v53  }
0x188: {  	v54 =	vmul.f32 v51, v30;
	[tilespmem:s30+$0xFFFFFFF0] =	vst v51;
	v56 =	vpop (erf)  }
0x189: {  	[tilespmem:s30+$0xFFFFFFC0] =	vst v18;
	v5 =	vmul.f32 v56, v5;
	v6 =	vbroadcast v6, $0xF  }
0x18a: {  	v55 =	vmul.f32 v51, v33;
	[tilespmem:s30+$0xFFFFFFD0] =	vst v54  }
0x18b: {  	[tilespmem:s30+$0x0] =	vst v5;
	v5 =	vmul.f32 v56, v19;
	(erf) = vpow2.f32 v6  }
0x18c: {  	[tilespmem:s30+$0xFFFFFFE0] =	vst v55;
	v57, _, _ =	vpop (xrf2);
	v6 =	vmul.f32 v7, v8  }
0x18d: {  	s0 =	sadd.s32 $0x140, s31;
	[tilespmem:s30+$0x20] =	vst v5;
	v18 =	vmul.f32 $1.442695020e+00, v57;
	v59, _, _ =	vpop (xrf2)  }
0x18e: {  	v5 =	vmul.f32 v56, v22;
	[tilespmem:s0+$0x50] =	vst v6;
	v6 =	vmul.f32 $1.442695020e+00, v59  }
0x18f: {  	[tilespmem:s0+$0x90] =	vst v7;
	v58 =	vbroadcast v18, $0xF  }
0x190: {  	v52 =	vmul.f32 v7, v25;
	[tilespmem:s30+$0x30] =	vst v5;
	v5 =	vbroadcast v6, $0xF  }
0x191: {  	v9 =	vmul.f32 v7, v9;
	[tilespmem:s30+$0x40] =	vst v56;
	(erf) = vpow2.f32 v58  }
0x192: {  	v11 =	vmul.f32 v56, v11;
	[tilespmem:s0+$0x80] =	vst v52;
	(erf) = vpow2.f32 v5  }
0x193: {  	[tilespmem:s0+$0x60] =	vst v9;
	v5 =	vmul.f32 v7, v13  }
0x194: {  	[tilespmem:s30+$0x10] =	vst v11;
	v6 =	vpop (erf)  }
0x195: {  	[tilespmem:s0+$0x70] =	vst v5;
	v7 =	vmul.f32 v6, v14  }
0x196: {  	[tilespmem:s0+$0xFFFFFFA0] =	vst v6;
	v60 =	vmul.f32 v6, v15  }
0x197: {  	v5 =	vmul.f32 v6, v20;
	[tilespmem:s0+$0xFFFFFF60] =	vst v7  }
0x198: {  	v6 =	vmul.f32 v6, v27;
	[tilespmem:s0+$0xFFFFFF70] =	vst v60  }
0x199: {  	[tilespmem:s0+$0xFFFFFF80] =	vst v5  }
0x19a: {  	[tilespmem:s0+$0xFFFFFF90] =	vst v6;
	v7 =	vpop (erf)  }
0x19b: {  	v61 =	vmul.f32 v7, v10;
	v63 =	vpop (erf);
	[tilespmem:s0+$0xFFFFFFF0] =	vst v7  }
0x19c: {  	v5 =	vmul.f32 v7, v17;
	[tilespmem:s0+$0x40] =	vst v63  }
0x19d: {  	v6 =	vmul.f32 v7, v24;
	[tilespmem:s0+$0xFFFFFFB0] =	vst v61  }
0x19e: {  	v62 =	vmul.f32 v7, v28;
	[tilespmem:s0+$0xFFFFFFC0] =	vst v5  }
0x19f: {  	v5 =	vmul.f32 v63, v12;
	[tilespmem:s0+$0xFFFFFFD0] =	vst v6  }
0x1a0: {  	[tilespmem:s0+$0xFFFFFFE0] =	vst v62;
	v6 =	vmul.f32 v63, v16  }
0x1a1: {  	[tilespmem:s0+$0x0] =	vst v5;
	v5 =	vmul.f32 v63, v26  }
0x1a2: {  	[tilespmem:s0+$0x10] =	vst v6;
	v6 =	vmul.f32 v63, v29  }
0x1a3: {  	[tilespmem:s0+$0x20] =	vst v5  }
0x1a4: {  	s9 =	simm.s32 @!p1 $0x80;
	s29 =	simm.s32 @!p1 $0x7E40;
	[tilespmem:s0+$0x30] =	vst v6;
	s0 =	sadd.s32 @!p1 $0x1C0, s4  }
0x1a5: {  	[tilespmem:s29], [sflag:$0x2] =	stream.indirect.gather @!p1 [hbm4b:s5+s9], $0x40, s0, s9, $0xb8;
	[tilespmem:$0x1CE40] =	vst v63  }
0x1a6: {  	s26 =	sadd.s32 $0x1, s26;
	s0 =	sadd.s32 @!p1 $0x30C0, s4;
	s4 =	simm.s32 @!p1 $0xBE40  }
0x1a7: {  	[tilespmem:s4], [sflag:$0x4] =	stream.indirect.gather @!p1 [hbm4b:s6+s9], $0x40, s0, s9, $0xb8;
	[tilespmem:$0x1CE40] =	vst v63  }
0x1a8: {  	p1 =	sne.s32 s26, s7  }
.Ltmp3:
0x1a9: {  	s31 =	sadd.s32 $0x2FC0, s28;
	(pc) =	sbr.rel @p1 .LBB2_4-.Ltmp3, $4  }
0x1aa: {  	[spmem:s3] =	stream.indirect.scatter.add.f32 [tilespmem:s20], [sflag:$0x5], $0x50, s31, s22, $0xb8;
	[tilespmem:$0x1CE40] =	vst v63  }
0x1ab: {  	_ =	swait.ge [sflag:s21], $0x2800  }
0x1ac: {  	[sflag:s21] =	ssyncset.done $0x0  }
0x1ad: {  	[sflag:s21] =	ssyncadd.s32 $0xFFFFD800  }
0x1ae: {  	s0 =	stileid.u32;
	s25 =	sadd.s32 $0x1, s25  }
0x1af: {  	[bflag:$0x0] =	sbarrier.arrive $0xFFFF;
	s0 =	sshll.u32 s0, $0x6;
	p1 =	sne.s32 s25, s19  }
.Ltmp4:
0x1b0: {  	s4 =	sshrl.u32 s8, $0x3;
	s0 =	sor.u32 $0x1C05, s0;
	(pc) =	sbr.rel @p1 .LBB2_1-.Ltmp4, $4  }
0x1b1: {  	[hbm:s18], [sflag:s0] =	dma.local [spmem:s4], $0x1900  }
0x1b2: {  	_ =	swait.ge [sflag:s21], $0x1900  }
0x1b3: {  	[sflag:s21] =	ssyncset.done $0x0  }
0x1b4: {  	[sflag:s21] =	ssyncadd.s32 $0xFFFFE700  }
0x1b5: {  	_ =	sfence.sel $0x180000  }
0x1b6: {  	[bflag:$0x0] =	sbarrier.arrive $0xFFFF  }
0x1b7: {  	_ =	strace $0x90000047  }
0x1b8: {  	s0 =	stileid.u32;
	[bflag:$0x2] =	sbarrier.arrive $0xFFFF  }
0x1b9: {  	p0 =	sne.s32 s0, $0x0;
	s0 =	rddreg [dreg:$0x4]  }
0x1ba: {  	s0 =	sadd.s32 @!p0 $0x100000, s0  }
0x1bb: {  	[sflag:s0] =	ssyncadd.tile.s32 @!p0 $0x1;
	_ =	shalt  }
.Lfunc_end2:
_tile_overlayer_lowered:
.L_overlay_start_2:
0x1bc: {  	(tag) =	ssettag $0x2  }
0x1bd: {  	s0 =	rddreg [dreg:$0x0];
	s2 =	stileid.u32  }
0x1be: {  	s1 =	rddreg [dreg:$0x1];
	p0 =	sne.s32 s2, $0x0  }
0x1bf: {  	s3 =	rddreg [dreg:$0x2];
	[bflag:$0x3] =	sbarrier.arrive $0xFFFF;
	s2 =	simm.s32 @!p0 $0x1C05  }
0x1c0: {  	[timem:s3], [sflag:s2] =	dma.local @!p0 [hbm:s0], s1  }
0x1c1: {  	s0 =	simm.s32 @!p0 $0x5  }
0x1c2: {  	_ =	swait.ge @!p0 [sflag:s0], s1  }
0x1c3: {  	s1 =	ssub.s32 @!p0 $0x0, s1;
	[sflag:s0] =	ssyncset.done @!p0 $0x0  }
0x1c4: {  	[sflag:s0] =	ssyncadd.s32 @!p0 s1  }
0x1c5: {  	[bflag:$0x3] =	sbarrier.arrive $0xFFFF  }
0x1c6: {  	_ =	shalt  }

</sc_bundles>
